<compile_context>
chip_gen: v7x
topology: tpu7x:2x2x1
jax: 0.10.2.dev20260603
libtpu: 0.0.44.dev20260713+nightly
codegen_flags: <defaults>
</compile_context>

<pallas_src>
import functools

import jax
import jax.numpy as jnp
from jax import lax
from jax.experimental import pallas as pl
from jax.experimental.pallas import tpu as pltpu
from jax.experimental.pallas import tpu_sc as plsc

M = 16384
N = 16384
NC = 2
NS = 16
NW = NC * NS
C = 2
L = 16


def _sc_mv(sc_rows: int, row_base: int):
    R = sc_rows // NW
    NCH = R // C
    mesh = plsc.VectorSubcoreMesh(core_axis_name="c", subcore_axis_name="s")

    @functools.partial(
        pl.kernel,
        out_type=jax.ShapeDtypeStruct((sc_rows,), jnp.float32),
        mesh=mesh,
        compiler_params=pltpu.CompilerParams(needs_layout_passes=False),
        scratch_types=[
            pltpu.VMEM((N,), jnp.float32),
            pltpu.VMEM((C, N), jnp.float32),
            pltpu.VMEM((C, N), jnp.float32),
            pltpu.VMEM((R,), jnp.float32),
            pltpu.SemaphoreType.DMA,
            pltpu.SemaphoreType.DMA,
        ],
    )
    def k(A_hbm, x_hbm, y_hbm, x_v, buf0, buf1, out_v, sem0, sem1):
        wid = lax.axis_index("s") * NC + lax.axis_index("c")
        out_base = wid * R
        base = row_base + out_base
        pltpu.sync_copy(x_hbm, x_v)

        def chunk_src(kk):
            return A_hbm.at[pl.ds(base + kk * C, C)]

        def compute(buf, kk):
            zero = jnp.zeros((L,), jnp.float32)

            def jbody(j, carry):
                a0, a1 = carry
                xv = x_v[pl.ds(j * L, L)]
                a0 = a0 + buf[0, pl.ds(j * L, L)] * xv
                a1 = a1 + buf[1, pl.ds(j * L, L)] * xv
                return (a0, a1)

            acc0, acc1 = lax.fori_loop(0, N // L, jbody, (zero, zero),
                                       unroll=8)
            lanes = lax.iota(jnp.int32, L)
            lane0 = lanes == 0
            for sub, acc in ((0, acc0), (1, acc1)):
                for sh in (8, 4, 2, 1):
                    acc = acc + acc.at[lanes ^ sh].get(
                        mode="promise_in_bounds")
                idx = jnp.full((L,), kk * C + sub, jnp.int32)
                plsc.store_scatter(out_v, [idx], acc, mask=lane0)

        pltpu.async_copy(chunk_src(0), buf0, sem0)
        pltpu.async_copy(chunk_src(1), buf1, sem1)

        def gbody(g, carry):
            k0 = 2 * g
            k1 = 2 * g + 1
            pltpu.make_async_copy(chunk_src(k0), buf0, sem0).wait()
            compute(buf0, k0)

            @pl.when(k0 + 2 < NCH)
            def _():
                pltpu.async_copy(chunk_src(k0 + 2), buf0, sem0)

            pltpu.make_async_copy(chunk_src(k1), buf1, sem1).wait()
            compute(buf1, k1)

            @pl.when(k1 + 2 < NCH)
            def _():
                pltpu.async_copy(chunk_src(k1 + 2), buf1, sem1)

            return carry

        lax.fori_loop(0, NCH // 2, gbody, 0)
        pltpu.sync_copy(out_v, y_hbm.at[pl.ds(out_base, R)])

    return k


def _tc_mv_body(a_ref, x_ref, o_ref):
    o_ref[...] = jnp.dot(a_ref[...], x_ref[...],
                         preferred_element_type=jnp.float32)


def _tc_mv(tc_rows: int, bm: int):
    def call(A, x2):
        return pl.pallas_call(
            _tc_mv_body,
            grid=(tc_rows // bm,),
            in_specs=[
                pl.BlockSpec((bm, N), lambda i: (i, 0)),
                pl.BlockSpec((N, 1), lambda i: (0, 0)),
            ],
            out_specs=pl.BlockSpec((bm, 1), lambda i: (i, 0)),
            out_shape=jax.ShapeDtypeStruct((tc_rows, 1), jnp.float32),
        )(A, x2)
    return call


M_TC = 9984
M_SC = M - M_TC


def kernel(A, x):
    y_tc = _tc_mv(M_TC, 256)(A, x.reshape(N, 1))
    y_sc = _sc_mv(M_SC, M_TC)(A, x)
    return jnp.concatenate([y_tc.reshape(M_TC), y_sc])

# --- scband reference (transcript-rebuilt; emitter-appended) ---
"""Pipeline reference for scband-sp-mv-7997229105541 (READ-ONLY COPY).

The authoritative reference and input builder live on the scoring server;
editing this copy changes nothing except your own understanding.
"""

import jax, jax.numpy as jnp
import numpy as np


def setup_inputs(seed: int = 0) -> dict:
    key = jax.random.key(seed)
    kA, kx = jax.random.split(key)
    A = jax.random.normal(kA, (16384, 16384), dtype=jnp.float32)
    x = jax.random.normal(kx, (16384,), dtype=jnp.float32)
    return {"A": A, "x": x}


def reference(A, x):
    # torch.mv(A, x): matrix-vector product, A [m, n], x [n] -> [m]
    return jnp.matmul(A, x)

if __name__ == "__main__":
    import jax
    _d = setup_inputs()
    print(jax.jit(kernel)(*tuple(_d.values())))

</pallas_src>

<mosaic_0001>
#map = affine_map<(d0, d1) -> (0, 0)>
#map1 = affine_map<(d0, d1) -> (0)>
module attributes {stable_mosaic.version = 14 : i64} {
  func.func @k(%arg0: i32, %arg1: i32, %arg2: memref<16384x16384xf32, #tpu.memory_space<hbm>>, %arg3: memref<16384xf32, #tpu.memory_space<hbm>>, %arg4: memref<6400xf32, #tpu.memory_space<hbm>>, %arg5: memref<16384xf32, #tpu.memory_space<vmem>>, %arg6: memref<2x16384xf32, #tpu.memory_space<vmem>>, %arg7: memref<2x16384xf32, #tpu.memory_space<vmem>>, %arg8: memref<200xf32, #tpu.memory_space<vmem>>, %arg9: memref<!tpu.dma_semaphore, #tpu.memory_space<semaphore_mem>>, %arg10: memref<!tpu.dma_semaphore, #tpu.memory_space<semaphore_mem>>) attributes {dimension_semantics = [#tpu.dimension_semantics<core_parallel>, #tpu.dimension_semantics<subcore_parallel>], iteration_bounds = array<i64: 2, 16>, scalar_prefetch = 0 : i64, scratch_operands = 6 : i64, tpu.core_type = #tpu.core_type<sc_vector_subcore>, window_params = [{transform_indices = #map}, {transform_indices = #map1}, {transform_indices = #map1}]} {
    %mul3A = arith.constant 2 : i32
    %mul3A_0 = arith.muli %arg1, %mul3A : i32
    %add3A = arith.addi %mul3A_0, %arg0 : i32
    %mul3A_1 = arith.constant 200 : i32
    %mul3A_2 = arith.muli %add3A, %mul3A_1 : i32
    %add3A_3 = arith.constant 9984 : i32
    %add3A_4 = arith.addi %add3A_3, %mul3A_2 : i32
    "tpu.region"() ({
      %run_scoped3A = tpu.sem_alloc : memref<!tpu.dma_semaphore, #tpu.memory_space<semaphore_mem>>
      tpu.enqueue_dma source(%arg3 : memref<16384xf32, #tpu.memory_space<hbm>>) target(%arg5 : memref<16384xf32, #tpu.memory_space<vmem>>) target_semaphore(%run_scoped3A : memref<!tpu.dma_semaphore, #tpu.memory_space<semaphore_mem>>)
      tpu.wait_dma2 semaphore(%run_scoped3A : memref<!tpu.dma_semaphore, #tpu.memory_space<semaphore_mem>>) src(%arg3 : memref<16384xf32, #tpu.memory_space<hbm>>) dst(%arg5 : memref<16384xf32, #tpu.memory_space<vmem>>)
      tpu.yield
    }) : () -> ()
    %add3A_5 = arith.constant 0 : i32
    %add3A_6 = arith.addi %add3A_4, %add3A_5 : i32
    %dma_start3A = arith.constant 0 : i32
    %dma_start3A_7 = tpu.memref_slice %arg2[%add3A_6, %dma_start3A] : memref<16384x16384xf32, #tpu.memory_space<hbm>> -> memref<2x16384xf32, #tpu.memory_space<hbm>>
    %dma_start3A_8 = arith.constant 0 : i32
    %dma_start3A_9 = tpu.memref_slice %arg2[%add3A_6, %dma_start3A_8] : memref<16384x16384xf32, #tpu.memory_space<hbm>> -> memref<2x16384xf32, #tpu.memory_space<hbm>>
    tpu.enqueue_dma source(%dma_start3A_9 : memref<2x16384xf32, #tpu.memory_space<hbm>>) target(%arg6 : memref<2x16384xf32, #tpu.memory_space<vmem>>) target_semaphore(%arg9 : memref<!tpu.dma_semaphore, #tpu.memory_space<semaphore_mem>>)
    %add3A_10 = arith.constant 2 : i32
    %add3A_11 = arith.addi %add3A_4, %add3A_10 : i32
    %dma_start3A_12 = arith.constant 0 : i32
    %dma_start3A_13 = tpu.memref_slice %arg2[%add3A_11, %dma_start3A_12] : memref<16384x16384xf32, #tpu.memory_space<hbm>> -> memref<2x16384xf32, #tpu.memory_space<hbm>>
    %dma_start3A_14 = arith.constant 0 : i32
    %dma_start3A_15 = tpu.memref_slice %arg2[%add3A_11, %dma_start3A_14] : memref<16384x16384xf32, #tpu.memory_space<hbm>> -> memref<2x16384xf32, #tpu.memory_space<hbm>>
    tpu.enqueue_dma source(%dma_start3A_15 : memref<2x16384xf32, #tpu.memory_space<hbm>>) target(%arg7 : memref<2x16384xf32, #tpu.memory_space<vmem>>) target_semaphore(%arg10 : memref<!tpu.dma_semaphore, #tpu.memory_space<semaphore_mem>>)
    %scan3A = arith.constant 0 : i32
    %scan3A_16 = arith.constant 0 : i32
    %scan3A_17 = arith.constant 50 : i32
    %scan3A_18 = arith.addi %scan3A_16, %scan3A_17 : i32
    %scan3A_19 = arith.constant 1 : i32
    scf.for %scan3A_21 = %scan3A_16 to %scan3A_18 step %scan3A_19  : i32 {
      %mul3A_22 = arith.constant 2 : i32
      %mul3A_23 = arith.muli %mul3A_22, %scan3A_21 : i32
      %mul3A_24 = arith.constant 2 : i32
      %mul3A_25 = arith.muli %mul3A_24, %scan3A_21 : i32
      %add3A_26 = arith.constant 1 : i32
      %add3A_27 = arith.addi %mul3A_25, %add3A_26 : i32
      %mul3A_28 = arith.constant 2 : i32
      %mul3A_29 = arith.muli %mul3A_23, %mul3A_28 : i32
      %add3A_30 = arith.addi %add3A_4, %mul3A_29 : i32
      %dma_wait3A = arith.constant 0 : i32
      %dma_wait3A_31 = tpu.memref_slice %arg2[%add3A_30, %dma_wait3A] : memref<16384x16384xf32, #tpu.memory_space<hbm>> -> memref<2x16384xf32, #tpu.memory_space<hbm>>
      %dma_wait3A_32 = arith.constant 0 : i32
      %dma_wait3A_33 = tpu.memref_slice %arg2[%add3A_30, %dma_wait3A_32] : memref<16384x16384xf32, #tpu.memory_space<hbm>> -> memref<2x16384xf32, #tpu.memory_space<hbm>>
      tpu.wait_dma2 semaphore(%arg9 : memref<!tpu.dma_semaphore, #tpu.memory_space<semaphore_mem>>) src(%dma_wait3A_33 : memref<2x16384xf32, #tpu.memory_space<hbm>>) dst(%arg6 : memref<2x16384xf32, #tpu.memory_space<vmem>>)
      %broadcast_in_dim3A = arith.constant 0.000000e+00 : f32
      %broadcast_in_dim3A_34 = vector.broadcast %broadcast_in_dim3A : f32 to vector<16xf32>
      %scan3A_35 = arith.constant 0 : i32
      %scan3A_36 = arith.constant 1024 : i32
      %scan3A_37 = arith.addi %scan3A_35, %scan3A_36 : i32
      %scan3A_38 = arith.constant 8 : i32
      %scan3A_39:2 = scf.for %scan3A_314 = %scan3A_35 to %scan3A_37 step %scan3A_38 iter_args(%scan3A_315 = %broadcast_in_dim3A_34, %scan3A_316 = %broadcast_in_dim3A_34) -> (vector<16xf32>, vector<16xf32>)  : i32 {
        %mul3A_317 = arith.constant 16 : i32
        %mul3A_318 = arith.muli %scan3A_314, %mul3A_317 : i32
        %get3A = arith.index_cast %mul3A_318 : i32 to index
        %get3A_319 = tpu.vector_load %arg5[%get3A] {strides = array<i32>} : memref<16384xf32, #tpu.memory_space<vmem>>, vector<16xf32>,
        %mul3A_320 = arith.constant 16 : i32
        %mul3A_321 = arith.muli %scan3A_314, %mul3A_320 : i32
        %get3A_322 = arith.constant 0 : i32
        %get3A_323 = arith.index_cast %get3A_322 : i32 to index
        %get3A_324 = arith.index_cast %mul3A_321 : i32 to index
        %get3A_325 = tpu.vector_load %arg6[%get3A_323, %get3A_324] {strides = array<i32>} : memref<2x16384xf32, #tpu.memory_space<vmem>>, vector<16xf32>,
        %mul3A_326 = arith.mulf %get3A_325, %get3A_319 : vector<16xf32>
        %add3A_327 = arith.addf %scan3A_315, %mul3A_326 : vector<16xf32>
        %mul3A_328 = arith.constant 16 : i32
        %mul3A_329 = arith.muli %scan3A_314, %mul3A_328 : i32
        %get3A_330 = arith.constant 1 : i32
        %get3A_331 = arith.index_cast %get3A_330 : i32 to index
        %get3A_332 = arith.index_cast %mul3A_329 : i32 to index
        %get3A_333 = tpu.vector_load %arg6[%get3A_331, %get3A_332] {strides = array<i32>} : memref<2x16384xf32, #tpu.memory_space<vmem>>, vector<16xf32>,
        %mul3A_334 = arith.mulf %get3A_333, %get3A_319 : vector<16xf32>
        %add3A_335 = arith.addf %scan3A_316, %mul3A_334 : vector<16xf32>
        %scan3A_336 = arith.constant 1 : i32
        %scan3A_337 = arith.addi %scan3A_314, %scan3A_336 : i32
        %mul3A_338 = arith.constant 16 : i32
        %mul3A_339 = arith.muli %scan3A_337, %mul3A_338 : i32
        %get3A_340 = arith.index_cast %mul3A_339 : i32 to index
        %get3A_341 = tpu.vector_load %arg5[%get3A_340] {strides = array<i32>} : memref<16384xf32, #tpu.memory_space<vmem>>, vector<16xf32>,
        %mul3A_342 = arith.constant 16 : i32
        %mul3A_343 = arith.muli %scan3A_337, %mul3A_342 : i32
        %get3A_344 = arith.constant 0 : i32
        %get3A_345 = arith.index_cast %get3A_344 : i32 to index
        %get3A_346 = arith.index_cast %mul3A_343 : i32 to index
        %get3A_347 = tpu.vector_load %arg6[%get3A_345, %get3A_346] {strides = array<i32>} : memref<2x16384xf32, #tpu.memory_space<vmem>>, vector<16xf32>,
        %mul3A_348 = arith.mulf %get3A_347, %get3A_341 : vector<16xf32>
        %add3A_349 = arith.addf %add3A_327, %mul3A_348 : vector<16xf32>
        %mul3A_350 = arith.constant 16 : i32
        %mul3A_351 = arith.muli %scan3A_337, %mul3A_350 : i32
        %get3A_352 = arith.constant 1 : i32
        %get3A_353 = arith.index_cast %get3A_352 : i32 to index
        %get3A_354 = arith.index_cast %mul3A_351 : i32 to index
        %get3A_355 = tpu.vector_load %arg6[%get3A_353, %get3A_354] {strides = array<i32>} : memref<2x16384xf32, #tpu.memory_space<vmem>>, vector<16xf32>,
        %mul3A_356 = arith.mulf %get3A_355, %get3A_341 : vector<16xf32>
        %add3A_357 = arith.addf %add3A_335, %mul3A_356 : vector<16xf32>
        %scan3A_358 = arith.constant 2 : i32
        %scan3A_359 = arith.addi %scan3A_314, %scan3A_358 : i32
        %mul3A_360 = arith.constant 16 : i32
        %mul3A_361 = arith.muli %scan3A_359, %mul3A_360 : i32
        %get3A_362 = arith.index_cast %mul3A_361 : i32 to index
        %get3A_363 = tpu.vector_load %arg5[%get3A_362] {strides = array<i32>} : memref<16384xf32, #tpu.memory_space<vmem>>, vector<16xf32>,
        %mul3A_364 = arith.constant 16 : i32
        %mul3A_365 = arith.muli %scan3A_359, %mul3A_364 : i32
        %get3A_366 = arith.constant 0 : i32
        %get3A_367 = arith.index_cast %get3A_366 : i32 to index
        %get3A_368 = arith.index_cast %mul3A_365 : i32 to index
        %get3A_369 = tpu.vector_load %arg6[%get3A_367, %get3A_368] {strides = array<i32>} : memref<2x16384xf32, #tpu.memory_space<vmem>>, vector<16xf32>,
        %mul3A_370 = arith.mulf %get3A_369, %get3A_363 : vector<16xf32>
        %add3A_371 = arith.addf %add3A_349, %mul3A_370 : vector<16xf32>
        %mul3A_372 = arith.constant 16 : i32
        %mul3A_373 = arith.muli %scan3A_359, %mul3A_372 : i32
        %get3A_374 = arith.constant 1 : i32
        %get3A_375 = arith.index_cast %get3A_374 : i32 to index
        %get3A_376 = arith.index_cast %mul3A_373 : i32 to index
        %get3A_377 = tpu.vector_load %arg6[%get3A_375, %get3A_376] {strides = array<i32>} : memref<2x16384xf32, #tpu.memory_space<vmem>>, vector<16xf32>,
        %mul3A_378 = arith.mulf %get3A_377, %get3A_363 : vector<16xf32>
        %add3A_379 = arith.addf %add3A_357, %mul3A_378 : vector<16xf32>
        %scan3A_380 = arith.constant 3 : i32
        %scan3A_381 = arith.addi %scan3A_314, %scan3A_380 : i32
        %mul3A_382 = arith.constant 16 : i32
        %mul3A_383 = arith.muli %scan3A_381, %mul3A_382 : i32
        %get3A_384 = arith.index_cast %mul3A_383 : i32 to index
        %get3A_385 = tpu.vector_load %arg5[%get3A_384] {strides = array<i32>} : memref<16384xf32, #tpu.memory_space<vmem>>, vector<16xf32>,
        %mul3A_386 = arith.constant 16 : i32
        %mul3A_387 = arith.muli %scan3A_381, %mul3A_386 : i32
        %get3A_388 = arith.constant 0 : i32
        %get3A_389 = arith.index_cast %get3A_388 : i32 to index
        %get3A_390 = arith.index_cast %mul3A_387 : i32 to index
        %get3A_391 = tpu.vector_load %arg6[%get3A_389, %get3A_390] {strides = array<i32>} : memref<2x16384xf32, #tpu.memory_space<vmem>>, vector<16xf32>,
        %mul3A_392 = arith.mulf %get3A_391, %get3A_385 : vector<16xf32>
        %add3A_393 = arith.addf %add3A_371, %mul3A_392 : vector<16xf32>
        %mul3A_394 = arith.constant 16 : i32
        %mul3A_395 = arith.muli %scan3A_381, %mul3A_394 : i32
        %get3A_396 = arith.constant 1 : i32
        %get3A_397 = arith.index_cast %get3A_396 : i32 to index
        %get3A_398 = arith.index_cast %mul3A_395 : i32 to index
        %get3A_399 = tpu.vector_load %arg6[%get3A_397, %get3A_398] {strides = array<i32>} : memref<2x16384xf32, #tpu.memory_space<vmem>>, vector<16xf32>,
        %mul3A_400 = arith.mulf %get3A_399, %get3A_385 : vector<16xf32>
        %add3A_401 = arith.addf %add3A_379, %mul3A_400 : vector<16xf32>
        %scan3A_402 = arith.constant 4 : i32
        %scan3A_403 = arith.addi %scan3A_314, %scan3A_402 : i32
        %mul3A_404 = arith.constant 16 : i32
        %mul3A_405 = arith.muli %scan3A_403, %mul3A_404 : i32
        %get3A_406 = arith.index_cast %mul3A_405 : i32 to index
        %get3A_407 = tpu.vector_load %arg5[%get3A_406] {strides = array<i32>} : memref<16384xf32, #tpu.memory_space<vmem>>, vector<16xf32>,
        %mul3A_408 = arith.constant 16 : i32
        %mul3A_409 = arith.muli %scan3A_403, %mul3A_408 : i32
        %get3A_410 = arith.constant 0 : i32
        %get3A_411 = arith.index_cast %get3A_410 : i32 to index
        %get3A_412 = arith.index_cast %mul3A_409 : i32 to index
        %get3A_413 = tpu.vector_load %arg6[%get3A_411, %get3A_412] {strides = array<i32>} : memref<2x16384xf32, #tpu.memory_space<vmem>>, vector<16xf32>,
        %mul3A_414 = arith.mulf %get3A_413, %get3A_407 : vector<16xf32>
        %add3A_415 = arith.addf %add3A_393, %mul3A_414 : vector<16xf32>
        %mul3A_416 = arith.constant 16 : i32
        %mul3A_417 = arith.muli %scan3A_403, %mul3A_416 : i32
        %get3A_418 = arith.constant 1 : i32
        %get3A_419 = arith.index_cast %get3A_418 : i32 to index
        %get3A_420 = arith.index_cast %mul3A_417 : i32 to index
        %get3A_421 = tpu.vector_load %arg6[%get3A_419, %get3A_420] {strides = array<i32>} : memref<2x16384xf32, #tpu.memory_space<vmem>>, vector<16xf32>,
        %mul3A_422 = arith.mulf %get3A_421, %get3A_407 : vector<16xf32>
        %add3A_423 = arith.addf %add3A_401, %mul3A_422 : vector<16xf32>
        %scan3A_424 = arith.constant 5 : i32
        %scan3A_425 = arith.addi %scan3A_314, %scan3A_424 : i32
        %mul3A_426 = arith.constant 16 : i32
        %mul3A_427 = arith.muli %scan3A_425, %mul3A_426 : i32
        %get3A_428 = arith.index_cast %mul3A_427 : i32 to index
        %get3A_429 = tpu.vector_load %arg5[%get3A_428] {strides = array<i32>} : memref<16384xf32, #tpu.memory_space<vmem>>, vector<16xf32>,
        %mul3A_430 = arith.constant 16 : i32
        %mul3A_431 = arith.muli %scan3A_425, %mul3A_430 : i32
        %get3A_432 = arith.constant 0 : i32
        %get3A_433 = arith.index_cast %get3A_432 : i32 to index
        %get3A_434 = arith.index_cast %mul3A_431 : i32 to index
        %get3A_435 = tpu.vector_load %arg6[%get3A_433, %get3A_434] {strides = array<i32>} : memref<2x16384xf32, #tpu.memory_space<vmem>>, vector<16xf32>,
        %mul3A_436 = arith.mulf %get3A_435, %get3A_429 : vector<16xf32>
        %add3A_437 = arith.addf %add3A_415, %mul3A_436 : vector<16xf32>
        %mul3A_438 = arith.constant 16 : i32
        %mul3A_439 = arith.muli %scan3A_425, %mul3A_438 : i32
        %get3A_440 = arith.constant 1 : i32
        %get3A_441 = arith.index_cast %get3A_440 : i32 to index
        %get3A_442 = arith.index_cast %mul3A_439 : i32 to index
        %get3A_443 = tpu.vector_load %arg6[%get3A_441, %get3A_442] {strides = array<i32>} : memref<2x16384xf32, #tpu.memory_space<vmem>>, vector<16xf32>,
        %mul3A_444 = arith.mulf %get3A_443, %get3A_429 : vector<16xf32>
        %add3A_445 = arith.addf %add3A_423, %mul3A_444 : vector<16xf32>
        %scan3A_446 = arith.constant 6 : i32
        %scan3A_447 = arith.addi %scan3A_314, %scan3A_446 : i32
        %mul3A_448 = arith.constant 16 : i32
        %mul3A_449 = arith.muli %scan3A_447, %mul3A_448 : i32
        %get3A_450 = arith.index_cast %mul3A_449 : i32 to index
        %get3A_451 = tpu.vector_load %arg5[%get3A_450] {strides = array<i32>} : memref<16384xf32, #tpu.memory_space<vmem>>, vector<16xf32>,
        %mul3A_452 = arith.constant 16 : i32
        %mul3A_453 = arith.muli %scan3A_447, %mul3A_452 : i32
        %get3A_454 = arith.constant 0 : i32
        %get3A_455 = arith.index_cast %get3A_454 : i32 to index
        %get3A_456 = arith.index_cast %mul3A_453 : i32 to index
        %get3A_457 = tpu.vector_load %arg6[%get3A_455, %get3A_456] {strides = array<i32>} : memref<2x16384xf32, #tpu.memory_space<vmem>>, vector<16xf32>,
        %mul3A_458 = arith.mulf %get3A_457, %get3A_451 : vector<16xf32>
        %add3A_459 = arith.addf %add3A_437, %mul3A_458 : vector<16xf32>
        %mul3A_460 = arith.constant 16 : i32
        %mul3A_461 = arith.muli %scan3A_447, %mul3A_460 : i32
        %get3A_462 = arith.constant 1 : i32
        %get3A_463 = arith.index_cast %get3A_462 : i32 to index
        %get3A_464 = arith.index_cast %mul3A_461 : i32 to index
        %get3A_465 = tpu.vector_load %arg6[%get3A_463, %get3A_464] {strides = array<i32>} : memref<2x16384xf32, #tpu.memory_space<vmem>>, vector<16xf32>,
        %mul3A_466 = arith.mulf %get3A_465, %get3A_451 : vector<16xf32>
        %add3A_467 = arith.addf %add3A_445, %mul3A_466 : vector<16xf32>
        %scan3A_468 = arith.constant 7 : i32
        %scan3A_469 = arith.addi %scan3A_314, %scan3A_468 : i32
        %mul3A_470 = arith.constant 16 : i32
        %mul3A_471 = arith.muli %scan3A_469, %mul3A_470 : i32
        %get3A_472 = arith.index_cast %mul3A_471 : i32 to index
        %get3A_473 = tpu.vector_load %arg5[%get3A_472] {strides = array<i32>} : memref<16384xf32, #tpu.memory_space<vmem>>, vector<16xf32>,
        %mul3A_474 = arith.constant 16 : i32
        %mul3A_475 = arith.muli %scan3A_469, %mul3A_474 : i32
        %get3A_476 = arith.constant 0 : i32
        %get3A_477 = arith.index_cast %get3A_476 : i32 to index
        %get3A_478 = arith.index_cast %mul3A_475 : i32 to index
        %get3A_479 = tpu.vector_load %arg6[%get3A_477, %get3A_478] {strides = array<i32>} : memref<2x16384xf32, #tpu.memory_space<vmem>>, vector<16xf32>,
        %mul3A_480 = arith.mulf %get3A_479, %get3A_473 : vector<16xf32>
        %add3A_481 = arith.addf %add3A_459, %mul3A_480 : vector<16xf32>
        %mul3A_482 = arith.constant 16 : i32
        %mul3A_483 = arith.muli %scan3A_469, %mul3A_482 : i32
        %get3A_484 = arith.constant 1 : i32
        %get3A_485 = arith.index_cast %get3A_484 : i32 to index
        %get3A_486 = arith.index_cast %mul3A_483 : i32 to index
        %get3A_487 = tpu.vector_load %arg6[%get3A_485, %get3A_486] {strides = array<i32>} : memref<2x16384xf32, #tpu.memory_space<vmem>>, vector<16xf32>,
        %mul3A_488 = arith.mulf %get3A_487, %get3A_473 : vector<16xf32>
        %add3A_489 = arith.addf %add3A_467, %mul3A_488 : vector<16xf32>
        scf.yield %add3A_481, %add3A_489 : vector<16xf32>, vector<16xf32>
      }
      %scan3A_40 = arith.constant 1024 : i32
      %iota3A = tpu.iota {dimensions = array<i32: 0>} : vector<16xi32>
      %eq3A = arith.constant 0 : i32
      %eq3A_41 = vector.broadcast %eq3A : i32 to vector<16xi32>
      %eq3A_42 = arith.cmpi eq, %iota3A, %eq3A_41 : vector<16xi32>
      %xor3A = arith.constant 8 : i32
      %xor3A_43 = vector.broadcast %xor3A : i32 to vector<16xi32>
      %xor3A_44 = arith.xori %iota3A, %xor3A_43 : vector<16xi32>
      %lt3A = arith.constant 0 : i32
      %lt3A_45 = vector.broadcast %lt3A : i32 to vector<16xi32>
      %lt3A_46 = arith.cmpi slt, %xor3A_44, %lt3A_45 : vector<16xi32>
      %add3A_47 = arith.constant 16 : i32
      %add3A_48 = vector.broadcast %add3A_47 : i32 to vector<16xi32>
      %add3A_49 = arith.addi %xor3A_44, %add3A_48 : vector<16xi32>
      %select_n3A = arith.select %lt3A_46, %add3A_49, %xor3A_44 : vector<16xi1>, vector<16xi32>
      %broadcast_in_dim3A_50 = vector.shape_cast %select_n3A : vector<16xi32> to vector<16x1xi32>
      %gather3A = vector.shape_cast %broadcast_in_dim3A_50 : vector<16x1xi32> to vector<16xi32>
      %gather3A_51 = tpu.dynamic_gather %scan3A_39#0[%gather3A] in [0] : vector<16xf32>, vector<16xi32> -> vector<16xf32>
      %add3A_52 = arith.addf %scan3A_39#0, %gather3A_51 : vector<16xf32>
      %xor3A_53 = arith.constant 4 : i32
      %xor3A_54 = vector.broadcast %xor3A_53 : i32 to vector<16xi32>
      %xor3A_55 = arith.xori %iota3A, %xor3A_54 : vector<16xi32>
      %lt3A_56 = arith.constant 0 : i32
      %lt3A_57 = vector.broadcast %lt3A_56 : i32 to vector<16xi32>
      %lt3A_58 = arith.cmpi slt, %xor3A_55, %lt3A_57 : vector<16xi32>
      %add3A_59 = arith.constant 16 : i32
      %add3A_60 = vector.broadcast %add3A_59 : i32 to vector<16xi32>
      %add3A_61 = arith.addi %xor3A_55, %add3A_60 : vector<16xi32>
      %select_n3A_62 = arith.select %lt3A_58, %add3A_61, %xor3A_55 : vector<16xi1>, vector<16xi32>
      %broadcast_in_dim3A_63 = vector.shape_cast %select_n3A_62 : vector<16xi32> to vector<16x1xi32>
      %gather3A_64 = vector.shape_cast %broadcast_in_dim3A_63 : vector<16x1xi32> to vector<16xi32>
      %gather3A_65 = tpu.dynamic_gather %add3A_52[%gather3A_64] in [0] : vector<16xf32>, vector<16xi32> -> vector<16xf32>
      %add3A_66 = arith.addf %add3A_52, %gather3A_65 : vector<16xf32>
      %xor3A_67 = arith.constant 2 : i32
      %xor3A_68 = vector.broadcast %xor3A_67 : i32 to vector<16xi32>
      %xor3A_69 = arith.xori %iota3A, %xor3A_68 : vector<16xi32>
      %lt3A_70 = arith.constant 0 : i32
      %lt3A_71 = vector.broadcast %lt3A_70 : i32 to vector<16xi32>
      %lt3A_72 = arith.cmpi slt, %xor3A_69, %lt3A_71 : vector<16xi32>
      %add3A_73 = arith.constant 16 : i32
      %add3A_74 = vector.broadcast %add3A_73 : i32 to vector<16xi32>
      %add3A_75 = arith.addi %xor3A_69, %add3A_74 : vector<16xi32>
      %select_n3A_76 = arith.select %lt3A_72, %add3A_75, %xor3A_69 : vector<16xi1>, vector<16xi32>
      %broadcast_in_dim3A_77 = vector.shape_cast %select_n3A_76 : vector<16xi32> to vector<16x1xi32>
      %gather3A_78 = vector.shape_cast %broadcast_in_dim3A_77 : vector<16x1xi32> to vector<16xi32>
      %gather3A_79 = tpu.dynamic_gather %add3A_66[%gather3A_78] in [0] : vector<16xf32>, vector<16xi32> -> vector<16xf32>
      %add3A_80 = arith.addf %add3A_66, %gather3A_79 : vector<16xf32>
      %xor3A_81 = arith.constant 1 : i32
      %xor3A_82 = vector.broadcast %xor3A_81 : i32 to vector<16xi32>
      %xor3A_83 = arith.xori %iota3A, %xor3A_82 : vector<16xi32>
      %lt3A_84 = arith.constant 0 : i32
      %lt3A_85 = vector.broadcast %lt3A_84 : i32 to vector<16xi32>
      %lt3A_86 = arith.cmpi slt, %xor3A_83, %lt3A_85 : vector<16xi32>
      %add3A_87 = arith.constant 16 : i32
      %add3A_88 = vector.broadcast %add3A_87 : i32 to vector<16xi32>
      %add3A_89 = arith.addi %xor3A_83, %add3A_88 : vector<16xi32>
      %select_n3A_90 = arith.select %lt3A_86, %add3A_89, %xor3A_83 : vector<16xi1>, vector<16xi32>
      %broadcast_in_dim3A_91 = vector.shape_cast %select_n3A_90 : vector<16xi32> to vector<16x1xi32>
      %gather3A_92 = vector.shape_cast %broadcast_in_dim3A_91 : vector<16x1xi32> to vector<16xi32>
      %gather3A_93 = tpu.dynamic_gather %add3A_80[%gather3A_92] in [0] : vector<16xf32>, vector<16xi32> -> vector<16xf32>
      %add3A_94 = arith.addf %add3A_80, %gather3A_93 : vector<16xf32>
      %mul3A_95 = arith.constant 2 : i32
      %mul3A_96 = arith.muli %mul3A_23, %mul3A_95 : i32
      %add3A_97 = arith.constant 0 : i32
      %add3A_98 = arith.addi %mul3A_96, %add3A_97 : i32
      %broadcast_in_dim3A_99 = vector.broadcast %add3A_98 : i32 to vector<16xi32>
      tpu.vector_store_idx %arg8[%broadcast_in_dim3A_99], %add3A_94 masked %eq3A_42 : memref<200xf32, #tpu.memory_space<vmem>>[vector<16xi32>], vector<16xf32>, vector<16xi1>
      %xor3A_100 = arith.constant 8 : i32
      %xor3A_101 = vector.broadcast %xor3A_100 : i32 to vector<16xi32>
      %xor3A_102 = arith.xori %iota3A, %xor3A_101 : vector<16xi32>
      %lt3A_103 = arith.constant 0 : i32
      %lt3A_104 = vector.broadcast %lt3A_103 : i32 to vector<16xi32>
      %lt3A_105 = arith.cmpi slt, %xor3A_102, %lt3A_104 : vector<16xi32>
      %add3A_106 = arith.constant 16 : i32
      %add3A_107 = vector.broadcast %add3A_106 : i32 to vector<16xi32>
      %add3A_108 = arith.addi %xor3A_102, %add3A_107 : vector<16xi32>
      %select_n3A_109 = arith.select %lt3A_105, %add3A_108, %xor3A_102 : vector<16xi1>, vector<16xi32>
      %broadcast_in_dim3A_110 = vector.shape_cast %select_n3A_109 : vector<16xi32> to vector<16x1xi32>
      %gather3A_111 = vector.shape_cast %broadcast_in_dim3A_110 : vector<16x1xi32> to vector<16xi32>
      %gather3A_112 = tpu.dynamic_gather %scan3A_39#1[%gather3A_111] in [0] : vector<16xf32>, vector<16xi32> -> vector<16xf32>
      %add3A_113 = arith.addf %scan3A_39#1, %gather3A_112 : vector<16xf32>
      %xor3A_114 = arith.constant 4 : i32
      %xor3A_115 = vector.broadcast %xor3A_114 : i32 to vector<16xi32>
      %xor3A_116 = arith.xori %iota3A, %xor3A_115 : vector<16xi32>
      %lt3A_117 = arith.constant 0 : i32
      %lt3A_118 = vector.broadcast %lt3A_117 : i32 to vector<16xi32>
      %lt3A_119 = arith.cmpi slt, %xor3A_116, %lt3A_118 : vector<16xi32>
      %add3A_120 = arith.constant 16 : i32
      %add3A_121 = vector.broadcast %add3A_120 : i32 to vector<16xi32>
      %add3A_122 = arith.addi %xor3A_116, %add3A_121 : vector<16xi32>
      %select_n3A_123 = arith.select %lt3A_119, %add3A_122, %xor3A_116 : vector<16xi1>, vector<16xi32>
      %broadcast_in_dim3A_124 = vector.shape_cast %select_n3A_123 : vector<16xi32> to vector<16x1xi32>
      %gather3A_125 = vector.shape_cast %broadcast_in_dim3A_124 : vector<16x1xi32> to vector<16xi32>
      %gather3A_126 = tpu.dynamic_gather %add3A_113[%gather3A_125] in [0] : vector<16xf32>, vector<16xi32> -> vector<16xf32>
      %add3A_127 = arith.addf %add3A_113, %gather3A_126 : vector<16xf32>
      %xor3A_128 = arith.constant 2 : i32
      %xor3A_129 = vector.broadcast %xor3A_128 : i32 to vector<16xi32>
      %xor3A_130 = arith.xori %iota3A, %xor3A_129 : vector<16xi32>
      %lt3A_131 = arith.constant 0 : i32
      %lt3A_132 = vector.broadcast %lt3A_131 : i32 to vector<16xi32>
      %lt3A_133 = arith.cmpi slt, %xor3A_130, %lt3A_132 : vector<16xi32>
      %add3A_134 = arith.constant 16 : i32
      %add3A_135 = vector.broadcast %add3A_134 : i32 to vector<16xi32>
      %add3A_136 = arith.addi %xor3A_130, %add3A_135 : vector<16xi32>
      %select_n3A_137 = arith.select %lt3A_133, %add3A_136, %xor3A_130 : vector<16xi1>, vector<16xi32>
      %broadcast_in_dim3A_138 = vector.shape_cast %select_n3A_137 : vector<16xi32> to vector<16x1xi32>
      %gather3A_139 = vector.shape_cast %broadcast_in_dim3A_138 : vector<16x1xi32> to vector<16xi32>
      %gather3A_140 = tpu.dynamic_gather %add3A_127[%gather3A_139] in [0] : vector<16xf32>, vector<16xi32> -> vector<16xf32>
      %add3A_141 = arith.addf %add3A_127, %gather3A_140 : vector<16xf32>
      %xor3A_142 = arith.constant 1 : i32
      %xor3A_143 = vector.broadcast %xor3A_142 : i32 to vector<16xi32>
      %xor3A_144 = arith.xori %iota3A, %xor3A_143 : vector<16xi32>
      %lt3A_145 = arith.constant 0 : i32
      %lt3A_146 = vector.broadcast %lt3A_145 : i32 to vector<16xi32>
      %lt3A_147 = arith.cmpi slt, %xor3A_144, %lt3A_146 : vector<16xi32>
      %add3A_148 = arith.constant 16 : i32
      %add3A_149 = vector.broadcast %add3A_148 : i32 to vector<16xi32>
      %add3A_150 = arith.addi %xor3A_144, %add3A_149 : vector<16xi32>
      %select_n3A_151 = arith.select %lt3A_147, %add3A_150, %xor3A_144 : vector<16xi1>, vector<16xi32>
      %broadcast_in_dim3A_152 = vector.shape_cast %select_n3A_151 : vector<16xi32> to vector<16x1xi32>
      %gather3A_153 = vector.shape_cast %broadcast_in_dim3A_152 : vector<16x1xi32> to vector<16xi32>
      %gather3A_154 = tpu.dynamic_gather %add3A_141[%gather3A_153] in [0] : vector<16xf32>, vector<16xi32> -> vector<16xf32>
      %add3A_155 = arith.addf %add3A_141, %gather3A_154 : vector<16xf32>
      %mul3A_156 = arith.constant 2 : i32
      %mul3A_157 = arith.muli %mul3A_23, %mul3A_156 : i32
      %add3A_158 = arith.constant 1 : i32
      %add3A_159 = arith.addi %mul3A_157, %add3A_158 : i32
      %broadcast_in_dim3A_160 = vector.broadcast %add3A_159 : i32 to vector<16xi32>
      tpu.vector_store_idx %arg8[%broadcast_in_dim3A_160], %add3A_155 masked %eq3A_42 : memref<200xf32, #tpu.memory_space<vmem>>[vector<16xi32>], vector<16xf32>, vector<16xi1>
      %add3A_161 = arith.constant 2 : i32
      %add3A_162 = arith.addi %mul3A_23, %add3A_161 : i32
      %lt3A_163 = arith.constant 100 : i32
      %lt3A_164 = arith.cmpi slt, %add3A_162, %lt3A_163 : i32
      %convert_element_type3A = arith.extui %lt3A_164 : i1 to i32
      %cond3A = arith.constant 0 : i32
      %cond3A_165 = arith.cmpi ne, %convert_element_type3A, %cond3A : i32
      scf.if %cond3A_165 {
        %add3A_314 = arith.constant 2 : i32
        %add3A_315 = arith.addi %mul3A_23, %add3A_314 : i32
        %mul3A_316 = arith.constant 2 : i32
        %mul3A_317 = arith.muli %add3A_315, %mul3A_316 : i32
        %add3A_318 = arith.addi %add3A_4, %mul3A_317 : i32
        %dma_start3A_319 = arith.constant 0 : i32
        %dma_start3A_320 = tpu.memref_slice %arg2[%add3A_318, %dma_start3A_319] : memref<16384x16384xf32, #tpu.memory_space<hbm>> -> memref<2x16384xf32, #tpu.memory_space<hbm>>
        %dma_start3A_321 = arith.constant 0 : i32
        %dma_start3A_322 = tpu.memref_slice %arg2[%add3A_318, %dma_start3A_321] : memref<16384x16384xf32, #tpu.memory_space<hbm>> -> memref<2x16384xf32, #tpu.memory_space<hbm>>
        tpu.enqueue_dma source(%dma_start3A_322 : memref<2x16384xf32, #tpu.memory_space<hbm>>) target(%arg6 : memref<2x16384xf32, #tpu.memory_space<vmem>>) target_semaphore(%arg9 : memref<!tpu.dma_semaphore, #tpu.memory_space<semaphore_mem>>)
      } else {
      }
      %mul3A_166 = arith.constant 2 : i32
      %mul3A_167 = arith.muli %add3A_27, %mul3A_166 : i32
      %add3A_168 = arith.addi %add3A_4, %mul3A_167 : i32
      %dma_wait3A_169 = arith.constant 0 : i32
      %dma_wait3A_170 = tpu.memref_slice %arg2[%add3A_168, %dma_wait3A_169] : memref<16384x16384xf32, #tpu.memory_space<hbm>> -> memref<2x16384xf32, #tpu.memory_space<hbm>>
      %dma_wait3A_171 = arith.constant 0 : i32
      %dma_wait3A_172 = tpu.memref_slice %arg2[%add3A_168, %dma_wait3A_171] : memref<16384x16384xf32, #tpu.memory_space<hbm>> -> memref<2x16384xf32, #tpu.memory_space<hbm>>
      tpu.wait_dma2 semaphore(%arg10 : memref<!tpu.dma_semaphore, #tpu.memory_space<semaphore_mem>>) src(%dma_wait3A_172 : memref<2x16384xf32, #tpu.memory_space<hbm>>) dst(%arg7 : memref<2x16384xf32, #tpu.memory_space<vmem>>)
      %broadcast_in_dim3A_173 = arith.constant 0.000000e+00 : f32
      %broadcast_in_dim3A_174 = vector.broadcast %broadcast_in_dim3A_173 : f32 to vector<16xf32>
      %scan3A_175 = arith.constant 0 : i32
      %scan3A_176 = arith.constant 1024 : i32
      %scan3A_177 = arith.addi %scan3A_175, %scan3A_176 : i32
      %scan3A_178 = arith.constant 8 : i32
      %scan3A_179:2 = scf.for %scan3A_314 = %scan3A_175 to %scan3A_177 step %scan3A_178 iter_args(%scan3A_315 = %broadcast_in_dim3A_174, %scan3A_316 = %broadcast_in_dim3A_174) -> (vector<16xf32>, vector<16xf32>)  : i32 {
        %mul3A_317 = arith.constant 16 : i32
        %mul3A_318 = arith.muli %scan3A_314, %mul3A_317 : i32
        %get3A = arith.index_cast %mul3A_318 : i32 to index
        %get3A_319 = tpu.vector_load %arg5[%get3A] {strides = array<i32>} : memref<16384xf32, #tpu.memory_space<vmem>>, vector<16xf32>,
        %mul3A_320 = arith.constant 16 : i32
        %mul3A_321 = arith.muli %scan3A_314, %mul3A_320 : i32
        %get3A_322 = arith.constant 0 : i32
        %get3A_323 = arith.index_cast %get3A_322 : i32 to index
        %get3A_324 = arith.index_cast %mul3A_321 : i32 to index
        %get3A_325 = tpu.vector_load %arg7[%get3A_323, %get3A_324] {strides = array<i32>} : memref<2x16384xf32, #tpu.memory_space<vmem>>, vector<16xf32>,
        %mul3A_326 = arith.mulf %get3A_325, %get3A_319 : vector<16xf32>
        %add3A_327 = arith.addf %scan3A_315, %mul3A_326 : vector<16xf32>
        %mul3A_328 = arith.constant 16 : i32
        %mul3A_329 = arith.muli %scan3A_314, %mul3A_328 : i32
        %get3A_330 = arith.constant 1 : i32
        %get3A_331 = arith.index_cast %get3A_330 : i32 to index
        %get3A_332 = arith.index_cast %mul3A_329 : i32 to index
        %get3A_333 = tpu.vector_load %arg7[%get3A_331, %get3A_332] {strides = array<i32>} : memref<2x16384xf32, #tpu.memory_space<vmem>>, vector<16xf32>,
        %mul3A_334 = arith.mulf %get3A_333, %get3A_319 : vector<16xf32>
        %add3A_335 = arith.addf %scan3A_316, %mul3A_334 : vector<16xf32>
        %scan3A_336 = arith.constant 1 : i32
        %scan3A_337 = arith.addi %scan3A_314, %scan3A_336 : i32
        %mul3A_338 = arith.constant 16 : i32
        %mul3A_339 = arith.muli %scan3A_337, %mul3A_338 : i32
        %get3A_340 = arith.index_cast %mul3A_339 : i32 to index
        %get3A_341 = tpu.vector_load %arg5[%get3A_340] {strides = array<i32>} : memref<16384xf32, #tpu.memory_space<vmem>>, vector<16xf32>,
        %mul3A_342 = arith.constant 16 : i32
        %mul3A_343 = arith.muli %scan3A_337, %mul3A_342 : i32
        %get3A_344 = arith.constant 0 : i32
        %get3A_345 = arith.index_cast %get3A_344 : i32 to index
        %get3A_346 = arith.index_cast %mul3A_343 : i32 to index
        %get3A_347 = tpu.vector_load %arg7[%get3A_345, %get3A_346] {strides = array<i32>} : memref<2x16384xf32, #tpu.memory_space<vmem>>, vector<16xf32>,
        %mul3A_348 = arith.mulf %get3A_347, %get3A_341 : vector<16xf32>
        %add3A_349 = arith.addf %add3A_327, %mul3A_348 : vector<16xf32>
        %mul3A_350 = arith.constant 16 : i32
        %mul3A_351 = arith.muli %scan3A_337, %mul3A_350 : i32
        %get3A_352 = arith.constant 1 : i32
        %get3A_353 = arith.index_cast %get3A_352 : i32 to index
        %get3A_354 = arith.index_cast %mul3A_351 : i32 to index
        %get3A_355 = tpu.vector_load %arg7[%get3A_353, %get3A_354] {strides = array<i32>} : memref<2x16384xf32, #tpu.memory_space<vmem>>, vector<16xf32>,
        %mul3A_356 = arith.mulf %get3A_355, %get3A_341 : vector<16xf32>
        %add3A_357 = arith.addf %add3A_335, %mul3A_356 : vector<16xf32>
        %scan3A_358 = arith.constant 2 : i32
        %scan3A_359 = arith.addi %scan3A_314, %scan3A_358 : i32
        %mul3A_360 = arith.constant 16 : i32
        %mul3A_361 = arith.muli %scan3A_359, %mul3A_360 : i32
        %get3A_362 = arith.index_cast %mul3A_361 : i32 to index
        %get3A_363 = tpu.vector_load %arg5[%get3A_362] {strides = array<i32>} : memref<16384xf32, #tpu.memory_space<vmem>>, vector<16xf32>,
        %mul3A_364 = arith.constant 16 : i32
        %mul3A_365 = arith.muli %scan3A_359, %mul3A_364 : i32
        %get3A_366 = arith.constant 0 : i32
        %get3A_367 = arith.index_cast %get3A_366 : i32 to index
        %get3A_368 = arith.index_cast %mul3A_365 : i32 to index
        %get3A_369 = tpu.vector_load %arg7[%get3A_367, %get3A_368] {strides = array<i32>} : memref<2x16384xf32, #tpu.memory_space<vmem>>, vector<16xf32>,
        %mul3A_370 = arith.mulf %get3A_369, %get3A_363 : vector<16xf32>
        %add3A_371 = arith.addf %add3A_349, %mul3A_370 : vector<16xf32>
        %mul3A_372 = arith.constant 16 : i32
        %mul3A_373 = arith.muli %scan3A_359, %mul3A_372 : i32
        %get3A_374 = arith.constant 1 : i32
        %get3A_375 = arith.index_cast %get3A_374 : i32 to index
        %get3A_376 = arith.index_cast %mul3A_373 : i32 to index
        %get3A_377 = tpu.vector_load %arg7[%get3A_375, %get3A_376] {strides = array<i32>} : memref<2x16384xf32, #tpu.memory_space<vmem>>, vector<16xf32>,
        %mul3A_378 = arith.mulf %get3A_377, %get3A_363 : vector<16xf32>
        %add3A_379 = arith.addf %add3A_357, %mul3A_378 : vector<16xf32>
        %scan3A_380 = arith.constant 3 : i32
        %scan3A_381 = arith.addi %scan3A_314, %scan3A_380 : i32
        %mul3A_382 = arith.constant 16 : i32
        %mul3A_383 = arith.muli %scan3A_381, %mul3A_382 : i32
        %get3A_384 = arith.index_cast %mul3A_383 : i32 to index
        %get3A_385 = tpu.vector_load %arg5[%get3A_384] {strides = array<i32>} : memref<16384xf32, #tpu.memory_space<vmem>>, vector<16xf32>,
        %mul3A_386 = arith.constant 16 : i32
        %mul3A_387 = arith.muli %scan3A_381, %mul3A_386 : i32
        %get3A_388 = arith.constant 0 : i32
        %get3A_389 = arith.index_cast %get3A_388 : i32 to index
        %get3A_390 = arith.index_cast %mul3A_387 : i32 to index
        %get3A_391 = tpu.vector_load %arg7[%get3A_389, %get3A_390] {strides = array<i32>} : memref<2x16384xf32, #tpu.memory_space<vmem>>, vector<16xf32>,
        %mul3A_392 = arith.mulf %get3A_391, %get3A_385 : vector<16xf32>
        %add3A_393 = arith.addf %add3A_371, %mul3A_392 : vector<16xf32>
        %mul3A_394 = arith.constant 16 : i32
        %mul3A_395 = arith.muli %scan3A_381, %mul3A_394 : i32
        %get3A_396 = arith.constant 1 : i32
        %get3A_397 = arith.index_cast %get3A_396 : i32 to index
        %get3A_398 = arith.index_cast %mul3A_395 : i32 to index
        %get3A_399 = tpu.vector_load %arg7[%get3A_397, %get3A_398] {strides = array<i32>} : memref<2x16384xf32, #tpu.memory_space<vmem>>, vector<16xf32>,
        %mul3A_400 = arith.mulf %get3A_399, %get3A_385 : vector<16xf32>
        %add3A_401 = arith.addf %add3A_379, %mul3A_400 : vector<16xf32>
        %scan3A_402 = arith.constant 4 : i32
        %scan3A_403 = arith.addi %scan3A_314, %scan3A_402 : i32
        %mul3A_404 = arith.constant 16 : i32
        %mul3A_405 = arith.muli %scan3A_403, %mul3A_404 : i32
        %get3A_406 = arith.index_cast %mul3A_405 : i32 to index
        %get3A_407 = tpu.vector_load %arg5[%get3A_406] {strides = array<i32>} : memref<16384xf32, #tpu.memory_space<vmem>>, vector<16xf32>,
        %mul3A_408 = arith.constant 16 : i32
        %mul3A_409 = arith.muli %scan3A_403, %mul3A_408 : i32
        %get3A_410 = arith.constant 0 : i32
        %get3A_411 = arith.index_cast %get3A_410 : i32 to index
        %get3A_412 = arith.index_cast %mul3A_409 : i32 to index
        %get3A_413 = tpu.vector_load %arg7[%get3A_411, %get3A_412] {strides = array<i32>} : memref<2x16384xf32, #tpu.memory_space<vmem>>, vector<16xf32>,
        %mul3A_414 = arith.mulf %get3A_413, %get3A_407 : vector<16xf32>
        %add3A_415 = arith.addf %add3A_393, %mul3A_414 : vector<16xf32>
        %mul3A_416 = arith.constant 16 : i32
        %mul3A_417 = arith.muli %scan3A_403, %mul3A_416 : i32
        %get3A_418 = arith.constant 1 : i32
        %get3A_419 = arith.index_cast %get3A_418 : i32 to index
        %get3A_420 = arith.index_cast %mul3A_417 : i32 to index
        %get3A_421 = tpu.vector_load %arg7[%get3A_419, %get3A_420] {strides = array<i32>} : memref<2x16384xf32, #tpu.memory_space<vmem>>, vector<16xf32>,
        %mul3A_422 = arith.mulf %get3A_421, %get3A_407 : vector<16xf32>
        %add3A_423 = arith.addf %add3A_401, %mul3A_422 : vector<16xf32>
        %scan3A_424 = arith.constant 5 : i32
        %scan3A_425 = arith.addi %scan3A_314, %scan3A_424 : i32
        %mul3A_426 = arith.constant 16 : i32
        %mul3A_427 = arith.muli %scan3A_425, %mul3A_426 : i32
        %get3A_428 = arith.index_cast %mul3A_427 : i32 to index
        %get3A_429 = tpu.vector_load %arg5[%get3A_428] {strides = array<i32>} : memref<16384xf32, #tpu.memory_space<vmem>>, vector<16xf32>,
        %mul3A_430 = arith.constant 16 : i32
        %mul3A_431 = arith.muli %scan3A_425, %mul3A_430 : i32
        %get3A_432 = arith.constant 0 : i32
        %get3A_433 = arith.index_cast %get3A_432 : i32 to index
        %get3A_434 = arith.index_cast %mul3A_431 : i32 to index
        %get3A_435 = tpu.vector_load %arg7[%get3A_433, %get3A_434] {strides = array<i32>} : memref<2x16384xf32, #tpu.memory_space<vmem>>, vector<16xf32>,
        %mul3A_436 = arith.mulf %get3A_435, %get3A_429 : vector<16xf32>
        %add3A_437 = arith.addf %add3A_415, %mul3A_436 : vector<16xf32>
        %mul3A_438 = arith.constant 16 : i32
        %mul3A_439 = arith.muli %scan3A_425, %mul3A_438 : i32
        %get3A_440 = arith.constant 1 : i32
        %get3A_441 = arith.index_cast %get3A_440 : i32 to index
        %get3A_442 = arith.index_cast %mul3A_439 : i32 to index
        %get3A_443 = tpu.vector_load %arg7[%get3A_441, %get3A_442] {strides = array<i32>} : memref<2x16384xf32, #tpu.memory_space<vmem>>, vector<16xf32>,
        %mul3A_444 = arith.mulf %get3A_443, %get3A_429 : vector<16xf32>
        %add3A_445 = arith.addf %add3A_423, %mul3A_444 : vector<16xf32>
        %scan3A_446 = arith.constant 6 : i32
        %scan3A_447 = arith.addi %scan3A_314, %scan3A_446 : i32
        %mul3A_448 = arith.constant 16 : i32
        %mul3A_449 = arith.muli %scan3A_447, %mul3A_448 : i32
        %get3A_450 = arith.index_cast %mul3A_449 : i32 to index
        %get3A_451 = tpu.vector_load %arg5[%get3A_450] {strides = array<i32>} : memref<16384xf32, #tpu.memory_space<vmem>>, vector<16xf32>,
        %mul3A_452 = arith.constant 16 : i32
        %mul3A_453 = arith.muli %scan3A_447, %mul3A_452 : i32
        %get3A_454 = arith.constant 0 : i32
        %get3A_455 = arith.index_cast %get3A_454 : i32 to index
        %get3A_456 = arith.index_cast %mul3A_453 : i32 to index
        %get3A_457 = tpu.vector_load %arg7[%get3A_455, %get3A_456] {strides = array<i32>} : memref<2x16384xf32, #tpu.memory_space<vmem>>, vector<16xf32>,
        %mul3A_458 = arith.mulf %get3A_457, %get3A_451 : vector<16xf32>
        %add3A_459 = arith.addf %add3A_437, %mul3A_458 : vector<16xf32>
        %mul3A_460 = arith.constant 16 : i32
        %mul3A_461 = arith.muli %scan3A_447, %mul3A_460 : i32
        %get3A_462 = arith.constant 1 : i32
        %get3A_463 = arith.index_cast %get3A_462 : i32 to index
        %get3A_464 = arith.index_cast %mul3A_461 : i32 to index
        %get3A_465 = tpu.vector_load %arg7[%get3A_463, %get3A_464] {strides = array<i32>} : memref<2x16384xf32, #tpu.memory_space<vmem>>, vector<16xf32>,
        %mul3A_466 = arith.mulf %get3A_465, %get3A_451 : vector<16xf32>
        %add3A_467 = arith.addf %add3A_445, %mul3A_466 : vector<16xf32>
        %scan3A_468 = arith.constant 7 : i32
        %scan3A_469 = arith.addi %scan3A_314, %scan3A_468 : i32
        %mul3A_470 = arith.constant 16 : i32
        %mul3A_471 = arith.muli %scan3A_469, %mul3A_470 : i32
        %get3A_472 = arith.index_cast %mul3A_471 : i32 to index
        %get3A_473 = tpu.vector_load %arg5[%get3A_472] {strides = array<i32>} : memref<16384xf32, #tpu.memory_space<vmem>>, vector<16xf32>,
        %mul3A_474 = arith.constant 16 : i32
        %mul3A_475 = arith.muli %scan3A_469, %mul3A_474 : i32
        %get3A_476 = arith.constant 0 : i32
        %get3A_477 = arith.index_cast %get3A_476 : i32 to index
        %get3A_478 = arith.index_cast %mul3A_475 : i32 to index
        %get3A_479 = tpu.vector_load %arg7[%get3A_477, %get3A_478] {strides = array<i32>} : memref<2x16384xf32, #tpu.memory_space<vmem>>, vector<16xf32>,
        %mul3A_480 = arith.mulf %get3A_479, %get3A_473 : vector<16xf32>
        %add3A_481 = arith.addf %add3A_459, %mul3A_480 : vector<16xf32>
        %mul3A_482 = arith.constant 16 : i32
        %mul3A_483 = arith.muli %scan3A_469, %mul3A_482 : i32
        %get3A_484 = arith.constant 1 : i32
        %get3A_485 = arith.index_cast %get3A_484 : i32 to index
        %get3A_486 = arith.index_cast %mul3A_483 : i32 to index
        %get3A_487 = tpu.vector_load %arg7[%get3A_485, %get3A_486] {strides = array<i32>} : memref<2x16384xf32, #tpu.memory_space<vmem>>, vector<16xf32>,
        %mul3A_488 = arith.mulf %get3A_487, %get3A_473 : vector<16xf32>
        %add3A_489 = arith.addf %add3A_467, %mul3A_488 : vector<16xf32>
        scf.yield %add3A_481, %add3A_489 : vector<16xf32>, vector<16xf32>
      }
      %scan3A_180 = arith.constant 1024 : i32
      %iota3A_181 = tpu.iota {dimensions = array<i32: 0>} : vector<16xi32>
      %eq3A_182 = arith.constant 0 : i32
      %eq3A_183 = vector.broadcast %eq3A_182 : i32 to vector<16xi32>
      %eq3A_184 = arith.cmpi eq, %iota3A_181, %eq3A_183 : vector<16xi32>
      %xor3A_185 = arith.constant 8 : i32
      %xor3A_186 = vector.broadcast %xor3A_185 : i32 to vector<16xi32>
      %xor3A_187 = arith.xori %iota3A_181, %xor3A_186 : vector<16xi32>
      %lt3A_188 = arith.constant 0 : i32
      %lt3A_189 = vector.broadcast %lt3A_188 : i32 to vector<16xi32>
      %lt3A_190 = arith.cmpi slt, %xor3A_187, %lt3A_189 : vector<16xi32>
      %add3A_191 = arith.constant 16 : i32
      %add3A_192 = vector.broadcast %add3A_191 : i32 to vector<16xi32>
      %add3A_193 = arith.addi %xor3A_187, %add3A_192 : vector<16xi32>
      %select_n3A_194 = arith.select %lt3A_190, %add3A_193, %xor3A_187 : vector<16xi1>, vector<16xi32>
      %broadcast_in_dim3A_195 = vector.shape_cast %select_n3A_194 : vector<16xi32> to vector<16x1xi32>
      %gather3A_196 = vector.shape_cast %broadcast_in_dim3A_195 : vector<16x1xi32> to vector<16xi32>
      %gather3A_197 = tpu.dynamic_gather %scan3A_179#0[%gather3A_196] in [0] : vector<16xf32>, vector<16xi32> -> vector<16xf32>
      %add3A_198 = arith.addf %scan3A_179#0, %gather3A_197 : vector<16xf32>
      %xor3A_199 = arith.constant 4 : i32
      %xor3A_200 = vector.broadcast %xor3A_199 : i32 to vector<16xi32>
      %xor3A_201 = arith.xori %iota3A_181, %xor3A_200 : vector<16xi32>
      %lt3A_202 = arith.constant 0 : i32
      %lt3A_203 = vector.broadcast %lt3A_202 : i32 to vector<16xi32>
      %lt3A_204 = arith.cmpi slt, %xor3A_201, %lt3A_203 : vector<16xi32>
      %add3A_205 = arith.constant 16 : i32
      %add3A_206 = vector.broadcast %add3A_205 : i32 to vector<16xi32>
      %add3A_207 = arith.addi %xor3A_201, %add3A_206 : vector<16xi32>
      %select_n3A_208 = arith.select %lt3A_204, %add3A_207, %xor3A_201 : vector<16xi1>, vector<16xi32>
      %broadcast_in_dim3A_209 = vector.shape_cast %select_n3A_208 : vector<16xi32> to vector<16x1xi32>
      %gather3A_210 = vector.shape_cast %broadcast_in_dim3A_209 : vector<16x1xi32> to vector<16xi32>
      %gather3A_211 = tpu.dynamic_gather %add3A_198[%gather3A_210] in [0] : vector<16xf32>, vector<16xi32> -> vector<16xf32>
      %add3A_212 = arith.addf %add3A_198, %gather3A_211 : vector<16xf32>
      %xor3A_213 = arith.constant 2 : i32
      %xor3A_214 = vector.broadcast %xor3A_213 : i32 to vector<16xi32>
      %xor3A_215 = arith.xori %iota3A_181, %xor3A_214 : vector<16xi32>
      %lt3A_216 = arith.constant 0 : i32
      %lt3A_217 = vector.broadcast %lt3A_216 : i32 to vector<16xi32>
      %lt3A_218 = arith.cmpi slt, %xor3A_215, %lt3A_217 : vector<16xi32>
      %add3A_219 = arith.constant 16 : i32
      %add3A_220 = vector.broadcast %add3A_219 : i32 to vector<16xi32>
      %add3A_221 = arith.addi %xor3A_215, %add3A_220 : vector<16xi32>
      %select_n3A_222 = arith.select %lt3A_218, %add3A_221, %xor3A_215 : vector<16xi1>, vector<16xi32>
      %broadcast_in_dim3A_223 = vector.shape_cast %select_n3A_222 : vector<16xi32> to vector<16x1xi32>
      %gather3A_224 = vector.shape_cast %broadcast_in_dim3A_223 : vector<16x1xi32> to vector<16xi32>
      %gather3A_225 = tpu.dynamic_gather %add3A_212[%gather3A_224] in [0] : vector<16xf32>, vector<16xi32> -> vector<16xf32>
      %add3A_226 = arith.addf %add3A_212, %gather3A_225 : vector<16xf32>
      %xor3A_227 = arith.constant 1 : i32
      %xor3A_228 = vector.broadcast %xor3A_227 : i32 to vector<16xi32>
      %xor3A_229 = arith.xori %iota3A_181, %xor3A_228 : vector<16xi32>
      %lt3A_230 = arith.constant 0 : i32
      %lt3A_231 = vector.broadcast %lt3A_230 : i32 to vector<16xi32>
      %lt3A_232 = arith.cmpi slt, %xor3A_229, %lt3A_231 : vector<16xi32>
      %add3A_233 = arith.constant 16 : i32
      %add3A_234 = vector.broadcast %add3A_233 : i32 to vector<16xi32>
      %add3A_235 = arith.addi %xor3A_229, %add3A_234 : vector<16xi32>
      %select_n3A_236 = arith.select %lt3A_232, %add3A_235, %xor3A_229 : vector<16xi1>, vector<16xi32>
      %broadcast_in_dim3A_237 = vector.shape_cast %select_n3A_236 : vector<16xi32> to vector<16x1xi32>
      %gather3A_238 = vector.shape_cast %broadcast_in_dim3A_237 : vector<16x1xi32> to vector<16xi32>
      %gather3A_239 = tpu.dynamic_gather %add3A_226[%gather3A_238] in [0] : vector<16xf32>, vector<16xi32> -> vector<16xf32>
      %add3A_240 = arith.addf %add3A_226, %gather3A_239 : vector<16xf32>
      %mul3A_241 = arith.constant 2 : i32
      %mul3A_242 = arith.muli %add3A_27, %mul3A_241 : i32
      %add3A_243 = arith.constant 0 : i32
      %add3A_244 = arith.addi %mul3A_242, %add3A_243 : i32
      %broadcast_in_dim3A_245 = vector.broadcast %add3A_244 : i32 to vector<16xi32>
      tpu.vector_store_idx %arg8[%broadcast_in_dim3A_245], %add3A_240 masked %eq3A_184 : memref<200xf32, #tpu.memory_space<vmem>>[vector<16xi32>], vector<16xf32>, vector<16xi1>
      %xor3A_246 = arith.constant 8 : i32
      %xor3A_247 = vector.broadcast %xor3A_246 : i32 to vector<16xi32>
      %xor3A_248 = arith.xori %iota3A_181, %xor3A_247 : vector<16xi32>
      %lt3A_249 = arith.constant 0 : i32
      %lt3A_250 = vector.broadcast %lt3A_249 : i32 to vector<16xi32>
      %lt3A_251 = arith.cmpi slt, %xor3A_248, %lt3A_250 : vector<16xi32>
      %add3A_252 = arith.constant 16 : i32
      %add3A_253 = vector.broadcast %add3A_252 : i32 to vector<16xi32>
      %add3A_254 = arith.addi %xor3A_248, %add3A_253 : vector<16xi32>
      %select_n3A_255 = arith.select %lt3A_251, %add3A_254, %xor3A_248 : vector<16xi1>, vector<16xi32>
      %broadcast_in_dim3A_256 = vector.shape_cast %select_n3A_255 : vector<16xi32> to vector<16x1xi32>
      %gather3A_257 = vector.shape_cast %broadcast_in_dim3A_256 : vector<16x1xi32> to vector<16xi32>
      %gather3A_258 = tpu.dynamic_gather %scan3A_179#1[%gather3A_257] in [0] : vector<16xf32>, vector<16xi32> -> vector<16xf32>
      %add3A_259 = arith.addf %scan3A_179#1, %gather3A_258 : vector<16xf32>
      %xor3A_260 = arith.constant 4 : i32
      %xor3A_261 = vector.broadcast %xor3A_260 : i32 to vector<16xi32>
      %xor3A_262 = arith.xori %iota3A_181, %xor3A_261 : vector<16xi32>
      %lt3A_263 = arith.constant 0 : i32
      %lt3A_264 = vector.broadcast %lt3A_263 : i32 to vector<16xi32>
      %lt3A_265 = arith.cmpi slt, %xor3A_262, %lt3A_264 : vector<16xi32>
      %add3A_266 = arith.constant 16 : i32
      %add3A_267 = vector.broadcast %add3A_266 : i32 to vector<16xi32>
      %add3A_268 = arith.addi %xor3A_262, %add3A_267 : vector<16xi32>
      %select_n3A_269 = arith.select %lt3A_265, %add3A_268, %xor3A_262 : vector<16xi1>, vector<16xi32>
      %broadcast_in_dim3A_270 = vector.shape_cast %select_n3A_269 : vector<16xi32> to vector<16x1xi32>
      %gather3A_271 = vector.shape_cast %broadcast_in_dim3A_270 : vector<16x1xi32> to vector<16xi32>
      %gather3A_272 = tpu.dynamic_gather %add3A_259[%gather3A_271] in [0] : vector<16xf32>, vector<16xi32> -> vector<16xf32>
      %add3A_273 = arith.addf %add3A_259, %gather3A_272 : vector<16xf32>
      %xor3A_274 = arith.constant 2 : i32
      %xor3A_275 = vector.broadcast %xor3A_274 : i32 to vector<16xi32>
      %xor3A_276 = arith.xori %iota3A_181, %xor3A_275 : vector<16xi32>
      %lt3A_277 = arith.constant 0 : i32
      %lt3A_278 = vector.broadcast %lt3A_277 : i32 to vector<16xi32>
      %lt3A_279 = arith.cmpi slt, %xor3A_276, %lt3A_278 : vector<16xi32>
      %add3A_280 = arith.constant 16 : i32
      %add3A_281 = vector.broadcast %add3A_280 : i32 to vector<16xi32>
      %add3A_282 = arith.addi %xor3A_276, %add3A_281 : vector<16xi32>
      %select_n3A_283 = arith.select %lt3A_279, %add3A_282, %xor3A_276 : vector<16xi1>, vector<16xi32>
      %broadcast_in_dim3A_284 = vector.shape_cast %select_n3A_283 : vector<16xi32> to vector<16x1xi32>
      %gather3A_285 = vector.shape_cast %broadcast_in_dim3A_284 : vector<16x1xi32> to vector<16xi32>
      %gather3A_286 = tpu.dynamic_gather %add3A_273[%gather3A_285] in [0] : vector<16xf32>, vector<16xi32> -> vector<16xf32>
      %add3A_287 = arith.addf %add3A_273, %gather3A_286 : vector<16xf32>
      %xor3A_288 = arith.constant 1 : i32
      %xor3A_289 = vector.broadcast %xor3A_288 : i32 to vector<16xi32>
      %xor3A_290 = arith.xori %iota3A_181, %xor3A_289 : vector<16xi32>
      %lt3A_291 = arith.constant 0 : i32
      %lt3A_292 = vector.broadcast %lt3A_291 : i32 to vector<16xi32>
      %lt3A_293 = arith.cmpi slt, %xor3A_290, %lt3A_292 : vector<16xi32>
      %add3A_294 = arith.constant 16 : i32
      %add3A_295 = vector.broadcast %add3A_294 : i32 to vector<16xi32>
      %add3A_296 = arith.addi %xor3A_290, %add3A_295 : vector<16xi32>
      %select_n3A_297 = arith.select %lt3A_293, %add3A_296, %xor3A_290 : vector<16xi1>, vector<16xi32>
      %broadcast_in_dim3A_298 = vector.shape_cast %select_n3A_297 : vector<16xi32> to vector<16x1xi32>
      %gather3A_299 = vector.shape_cast %broadcast_in_dim3A_298 : vector<16x1xi32> to vector<16xi32>
      %gather3A_300 = tpu.dynamic_gather %add3A_287[%gather3A_299] in [0] : vector<16xf32>, vector<16xi32> -> vector<16xf32>
      %add3A_301 = arith.addf %add3A_287, %gather3A_300 : vector<16xf32>
      %mul3A_302 = arith.constant 2 : i32
      %mul3A_303 = arith.muli %add3A_27, %mul3A_302 : i32
      %add3A_304 = arith.constant 1 : i32
      %add3A_305 = arith.addi %mul3A_303, %add3A_304 : i32
      %broadcast_in_dim3A_306 = vector.broadcast %add3A_305 : i32 to vector<16xi32>
      tpu.vector_store_idx %arg8[%broadcast_in_dim3A_306], %add3A_301 masked %eq3A_184 : memref<200xf32, #tpu.memory_space<vmem>>[vector<16xi32>], vector<16xf32>, vector<16xi1>
      %add3A_307 = arith.constant 2 : i32
      %add3A_308 = arith.addi %add3A_27, %add3A_307 : i32
      %lt3A_309 = arith.constant 100 : i32
      %lt3A_310 = arith.cmpi slt, %add3A_308, %lt3A_309 : i32
      %convert_element_type3A_311 = arith.extui %lt3A_310 : i1 to i32
      %cond3A_312 = arith.constant 0 : i32
      %cond3A_313 = arith.cmpi ne, %convert_element_type3A_311, %cond3A_312 : i32
      scf.if %cond3A_313 {
        %add3A_314 = arith.constant 2 : i32
        %add3A_315 = arith.addi %add3A_27, %add3A_314 : i32
        %mul3A_316 = arith.constant 2 : i32
        %mul3A_317 = arith.muli %add3A_315, %mul3A_316 : i32
        %add3A_318 = arith.addi %add3A_4, %mul3A_317 : i32
        %dma_start3A_319 = arith.constant 0 : i32
        %dma_start3A_320 = tpu.memref_slice %arg2[%add3A_318, %dma_start3A_319] : memref<16384x16384xf32, #tpu.memory_space<hbm>> -> memref<2x16384xf32, #tpu.memory_space<hbm>>
        %dma_start3A_321 = arith.constant 0 : i32
        %dma_start3A_322 = tpu.memref_slice %arg2[%add3A_318, %dma_start3A_321] : memref<16384x16384xf32, #tpu.memory_space<hbm>> -> memref<2x16384xf32, #tpu.memory_space<hbm>>
        tpu.enqueue_dma source(%dma_start3A_322 : memref<2x16384xf32, #tpu.memory_space<hbm>>) target(%arg7 : memref<2x16384xf32, #tpu.memory_space<vmem>>) target_semaphore(%arg10 : memref<!tpu.dma_semaphore, #tpu.memory_space<semaphore_mem>>)
      } else {
      }
    }
    %scan3A_20 = arith.constant 50 : i32
    "tpu.region"() ({
      %run_scoped3A = tpu.sem_alloc : memref<!tpu.dma_semaphore, #tpu.memory_space<semaphore_mem>>
      %dma_start3A_21 = tpu.memref_slice %arg4[%mul3A_2] : memref<6400xf32, #tpu.memory_space<hbm>> -> memref<200xf32, #tpu.memory_space<hbm>>
      %dma_start3A_22 = tpu.memref_slice %arg4[%mul3A_2] : memref<6400xf32, #tpu.memory_space<hbm>> -> memref<200xf32, #tpu.memory_space<hbm>>
      tpu.enqueue_dma source(%arg8 : memref<200xf32, #tpu.memory_space<vmem>>) target(%dma_start3A_22 : memref<200xf32, #tpu.memory_space<hbm>>) target_semaphore(%run_scoped3A : memref<!tpu.dma_semaphore, #tpu.memory_space<semaphore_mem>>)
      %dma_wait3A = tpu.memref_slice %arg4[%mul3A_2] : memref<6400xf32, #tpu.memory_space<hbm>> -> memref<200xf32, #tpu.memory_space<hbm>>
      %dma_wait3A_23 = tpu.memref_slice %arg4[%mul3A_2] : memref<6400xf32, #tpu.memory_space<hbm>> -> memref<200xf32, #tpu.memory_space<hbm>>
      tpu.wait_dma2 semaphore(%run_scoped3A : memref<!tpu.dma_semaphore, #tpu.memory_space<semaphore_mem>>) src(%arg8 : memref<200xf32, #tpu.memory_space<vmem>>) dst(%dma_wait3A_23 : memref<200xf32, #tpu.memory_space<hbm>>)
      tpu.yield
    }) : () -> ()
    return
  }
}

module attributes {stable_mosaic.version = 14 : i64} {
  func.func @_tc_mv_body(%arg0: i32, %arg1: memref<256x16384xf32, #tpu.memory_space<vmem>>, %arg2: memref<16384x1xf32, #tpu.memory_space<vmem>>, %arg3: memref<256x1xf32, #tpu.memory_space<vmem>>) attributes {dimension_semantics = [#tpu.dimension_semantics<arbitrary>], iteration_bounds = array<i64: 39>, scalar_prefetch = 0 : i64, scratch_operands = 0 : i64, tpu.core_type = #tpu.core_type<tc>, window_params = [{transform_indices = @transform_0, window_bounds = array<i64: 256, 16384>}, {pipeline_mode = #tpu.pipeline_mode<synchronous>, transform_indices = @transform_1, window_bounds = array<i64: 16384, 1>}, {transform_indices = @transform_2, window_bounds = array<i64: 256, 1>}]} {
    %get3A = arith.constant 0 : index
    %get3A_0 = arith.constant 0 : index
    %get3A_1 = vector.load %arg1[%get3A, %get3A_0] : memref<256x16384xf32, #tpu.memory_space<vmem>>, vector<256x16384xf32>
    %get3A_2 = arith.constant 0 : index
    %get3A_3 = arith.constant 0 : index
    %get3A_4 = vector.load %arg2[%get3A_2, %get3A_3] : memref<16384x1xf32, #tpu.memory_space<vmem>>, vector<16384x1xf32>
    %dot_general3A = arith.constant dense<0.000000e+00> : vector<256x1xf32>
    %dot_general3A_5 = tpu.matmul %get3A_1, %get3A_4, %dot_general3A {dimension_numbers = #tpu.dot_dimension_numbers<[1], [0], [0], [1], [0, 0, 1, 1], [], []>, transpose_lhs_hint = false} : vector<256x16384xf32>, vector<16384x1xf32>, vector<256x1xf32> -> vector<256x1xf32>
    %swap3A = arith.constant 0 : index
    %swap3A_6 = arith.constant 0 : index
    %swap3A_7 = vector.load %arg3[%swap3A, %swap3A_6] : memref<256x1xf32, #tpu.memory_space<vmem>>, vector<256x1xf32>
    tpu.vector_store %arg3[%swap3A, %swap3A_6], %dot_general3A_5 {strides = array<i32>} : memref<256x1xf32, #tpu.memory_space<vmem>>, vector<256x1xf32>,
    return
  }
  func.func @transform_0(%arg0: i32) -> (i32, i32) {
    %c0_i32 = arith.constant 0 : i32
    %c0_i32_0 = arith.constant 0 : i32
    return %arg0, %c0_i32 : i32, i32
  }
  func.func @transform_1(%arg0: i32) -> (i32, i32) {
    %c0_i32 = arith.constant 0 : i32
    %c0_i32_0 = arith.constant 0 : i32
    %c0_i32_1 = arith.constant 0 : i32
    return %c0_i32, %c0_i32_0 : i32, i32
  }
  func.func @transform_2(%arg0: i32) -> (i32, i32) {
    %c0_i32 = arith.constant 0 : i32
    %c0_i32_0 = arith.constant 0 : i32
    return %arg0, %c0_i32 : i32, i32
  }
}

</mosaic_0001>

<sc_bundles>
// kernel: kernel.4.cloned.1.call-start
scs
__scs_entry_jumppad:
0x0: {  	(pc) =	sbr.rel $0x88, $3  }
0x1: {  	(tag) =	ssettag $0x0;
	lr =	simm.s32 $0x1  }
0x2: {  	[smem:$0x3F9F] =	sst lr;
	_ =	strace $0xD0000000  }
0x3: {  	_ = 	snop  }
0x4: {  	_ = 	snop  }
0x5: {  	_ = 	snop  }
0x6: {  	_ = 	snop  }
0x7: {  	_ = 	snop  }
__scs_overlays_trampoline_lowered:
0x8: {  	[smem:$0x3FAE] =	sst s0  }
0x9: {  	[smem:$0x3FAF] =	sst s1  }
0xa: {  	[smem:$0x3FB0] =	sst s2  }
0xb: {  	[smem:$0x3FB1] =	sst s3  }
0xc: {  	[smem:$0x3FB2] =	sst s4  }
0xd: {  	[smem:$0x3FB3] =	sst s5  }
0xe: {  	[smem:$0x3FB4] =	sst s6  }
0xf: {  	[smem:$0x3FB5] =	sst s7  }
0x10: {  	[smem:$0x3FB6] =	sst s8  }
0x11: {  	[smem:$0x3FB7] =	sst s9;
	s0 =	simm.s32 @!p0 $0x0  }
0x12: {  	s1 =	sld [smem:$0x3F9D];
	s0 =	simm.s32 @p0 $0x1  }
0x13: {  	[smem:$0x3FB8] =	sst s0;
	s0 =	simm.s32 @!p1 $0x0  }
0x14: {  	s2 =	sld [smem:$0x3F9C];
	s0 =	simm.s32 @p1 $0x1  }
0x15: {  	[smem:$0x3FB9] =	sst s0;
	s0 =	simm.s32 @!p2 $0x0  }
0x16: {  	s3 =	sld [smem:$0x3FDB];
	s0 =	simm.s32 @p2 $0x1  }
0x17: {  	s4 =	simm.s32 $0x1BF5;
	[smem:$0x3FBB] =	sst s0  }
0x18: {  	s0 =	sld [smem:$0x3F9E];
	_ =	swait.ge [sflag:s4], $0x0  }
0x19: {  	s7 =	sld [smem:$0x3F9F]  }
0x1a: {  	s8 =	sadd.s32 $0xFFFFE003, lr  }
0x1b: {  	s9 =	sadd.s32 $0xFFFFFEF7, lr;
	s5 =	simm.s32 $0xFFFFFFFF;
	p2 =	slt.u32 s8, $0xFFFFF086  }
0x1c: {  	p1 =	slt.u32 s9, $0xF7A;
	s5 =	simm.s32 @!p2 $0x0  }
0x1d: {  	s5 =	simm.s32 @p1 $0x1;
	p0 =	seq.s32 s7, s2  }
0x1e: {  	s7 =	smul.u32 @!p0 $0xF7A, s2;
	p2 =	seq.s32 @!p0 s5, $0x0  }
0x1f: {  	s9 =	smul.u32 $0xF7A, s1;
	s8 =	simm.s32 @!p0 $0x1BF5;
	p2 =	por !p2, p0  }
0x20: {  	[sflag:s8] =	ssyncset.s32 @!p0 $0xFFFFF086;
	s6 =	sadd.s32 @!p0 s3, s7;
	s7 =	simm.s32 @!p0 $0x108  }
0x21: {  	s3 =	sadd.s32 s3, s9;
	s6 =	sadd.s32 @!p0 $0x88, s6;
	s7 =	simm.s32 @p2 $0x1082  }
0x22: {  	[simem:s7], [sflag:s8] =	dma.local @!p0 [hbm:s6], $0xF7A  }
0x23: {  	s9 =	sor.u32 $0xD0000000, s2;
	s6 =	simm.s32 $0x108;
	_ =	swait.ge @!p0 [sflag:s8], $0x0  }
0x24: {  	s3 =	sadd.s32 $0x88, s3;
	s6 =	simm.s32 @!p1 $0x1082;
	[sflag:s4] =	ssyncset.s32 $0xFFFFF086  }
0x25: {  	[simem:s6], [sflag:s4] =	dma.local [hbm:s3], $0xF7A  }
0x26: {  	[smem:$0x3F9F] =	sst s1;
	(tag) =	ssettag s2;
	_ =	strace s9  }
0x27: {  	s1 =	sld [smem:$0x3FAF]  }
0x28: {  	s2 =	sld [smem:$0x3FB0]  }
0x29: {  	s4 =	sld [smem:$0x3FB2]  }
0x2a: {  	p0 =	seq.s32 s5, $0x0;
	s5 =	sld [smem:$0x3FB3]  }
0x2b: {  	s6 =	sld [smem:$0x3FB4]  }
0x2c: {  	s7 =	sld [smem:$0x3FB5]  }
0x2d: {  	s3 =	simm.s32 $0x108;
	s8 =	sld [smem:$0x3FB6]  }
0x2e: {  	s3 =	simm.s32 @!p0 $0x1082;
	s9 =	sld [smem:$0x3FB7]  }
0x2f: {  	lr =	sadd.s32 s0, s3;
	s0 =	sld [smem:$0x3FAE]  }
0x30: {  	s3 =	sld [smem:$0x3FB1]  }
0x31: {  	[smem:$0x3FBA] =	sst s10  }
0x32: {  	s10 =	sld [smem:$0x3FB8];
	_ =	sdelay $0x3  }
0x33: {  	p0 =	seq.s32 s10, $0x1;
	s10 =	sld [smem:$0x3FBA];
	_ =	sdelay $0x3  }
0x34: {  	[smem:$0x3FBA] =	sst s10  }
0x35: {  	s10 =	sld [smem:$0x3FB9];
	_ =	sdelay $0x3  }
0x36: {  	p1 =	seq.s32 s10, $0x1;
	s10 =	sld [smem:$0x3FBA];
	_ =	sdelay $0x3  }
0x37: {  	[smem:$0x3FBA] =	sst s10  }
0x38: {  	s10 =	sld [smem:$0x3FBB]  }
0x39: {  	_ = 	snop;
	(pc) =	sbr.ind lr, $3  }
0x3a: {  	_ = 	snop  }
0x3b: {  	_ = 	snop  }
0x3c: {  	p2 =	seq.s32 s10, $0x1;
	s10 =	sld [smem:$0x3FBA]  }
0x3d: {  	_ =	shalt  }
0x3e: {  	_ =	shalt  }
0x3f: {  	_ =	shalt  }
0x40: {  	_ =	shalt  }
0x41: {  	_ =	shalt  }
0x42: {  	_ =	shalt  }
0x43: {  	_ =	shalt  }
0x44: {  	_ =	shalt  }
0x45: {  	_ =	shalt  }
0x46: {  	_ =	shalt  }
0x47: {  	_ =	shalt  }
0x48: {  	_ =	shalt  }
0x49: {  	_ =	shalt  }
0x4a: {  	_ =	shalt  }
0x4b: {  	_ =	shalt  }
0x4c: {  	_ =	shalt  }
0x4d: {  	_ =	shalt  }
0x4e: {  	_ =	shalt  }
0x4f: {  	_ =	shalt  }
0x50: {  	_ =	shalt  }
0x51: {  	_ =	shalt  }
0x52: {  	_ =	shalt  }
0x53: {  	_ =	shalt  }
0x54: {  	_ =	shalt  }
0x55: {  	_ =	shalt  }
0x56: {  	_ =	shalt  }
0x57: {  	_ =	shalt  }
0x58: {  	_ =	shalt  }
0x59: {  	_ =	shalt  }
0x5a: {  	_ =	shalt  }
0x5b: {  	_ =	shalt  }
0x5c: {  	_ =	shalt  }
0x5d: {  	_ =	shalt  }
0x5e: {  	_ =	shalt  }
0x5f: {  	_ =	shalt  }
0x60: {  	_ =	shalt  }
0x61: {  	_ =	shalt  }
0x62: {  	_ =	shalt  }
0x63: {  	_ =	shalt  }
0x64: {  	_ =	shalt  }
0x65: {  	_ =	shalt  }
0x66: {  	_ =	shalt  }
0x67: {  	_ =	shalt  }
0x68: {  	_ =	shalt  }
0x69: {  	_ =	shalt  }
0x6a: {  	_ =	shalt  }
0x6b: {  	_ =	shalt  }
0x6c: {  	_ =	shalt  }
0x6d: {  	_ =	shalt  }
0x6e: {  	_ =	shalt  }
0x6f: {  	_ =	shalt  }
0x70: {  	_ =	shalt  }
0x71: {  	_ =	shalt  }
0x72: {  	_ =	shalt  }
0x73: {  	_ =	shalt  }
0x74: {  	_ =	shalt  }
0x75: {  	_ =	shalt  }
0x76: {  	_ =	shalt  }
0x77: {  	_ =	shalt  }
0x78: {  	_ =	shalt  }
0x79: {  	_ =	shalt  }
0x7a: {  	_ =	shalt  }
0x7b: {  	_ =	shalt  }
0x7c: {  	_ =	shalt  }
0x7d: {  	_ =	shalt  }
0x7e: {  	_ =	shalt  }
0x7f: {  	_ =	shalt  }
0x80: {  	_ =	shalt  }
0x81: {  	_ =	shalt  }
0x82: {  	_ =	shalt  }
0x83: {  	_ =	shalt  }
0x84: {  	_ =	shalt  }
0x85: {  	_ =	shalt  }
0x86: {  	_ =	shalt  }
0x87: {  	_ =	shalt  }
.Lfunc_end0:
.L_simem_size_0:
called_computation_lowered:
.L_overlay_start_0:
0x88: {  	s2 =	sld [smem:$0x3FD9]  }
0x89: {  	s3 =	sld [smem:$0x3FFE];
	_ =	sdelay $0x1  }
0x8a: {  	s1 =	srdreg.scid  }
0x8b: {  	s0 =	sand.u32 $0x1, s1  }
0x8c: {  	s17 =	sshll.u32 s0, $0xA;
	s2 =	sadd.s32 s3, s2  }
0x8d: {  	s2 =	sadd.s32 s2, s17  }
0x8e: {  	[smem:$0x3FC6] =	sst s2  }
0x8f: {  	_ = 	snop  }
0x90: {  	s2 =	sld [smem:$0x3FC9]  }
0x91: {  	s18 =	sld [smem:$0x3FC8];
	(tm) =	ssettm $0x1  }
0x92: {  	s4 =	sld [smem:$0x3FFB];
	_ =	sdelay $0x3  }
0x93: {  	_ =	strace s4  }
0x94: {  	s4 =	sld [smem:$0x3FFC];
	_ =	sdelay $0x3  }
0x95: {  	_ =	strace s4  }
0x96: {  	s4 =	sld [smem:$0x3FFD];
	_ =	sdelay $0x3  }
0x97: {  	_ =	strace s4  }
0x98: {  	_ =	strace $0x8FFFFFFF  }
0x99: {  	s19 =	sld [smem:$0x3FDB];
	_ =	sdelay $0x1  }
0x9a: {  	s5 =	simm.s32 $_scs_section_size  }
0x9b: {  	s6 =	simm.s32 $_size__tile_overlayer_lowered;
	s7 =	simm.s32 $_tile_overlayer_lowered  }
0x9c: {  	s22 =	simm.s32 $0x1BFF;
	s21 =	sshll.u32 s7, $0x1;
	s4 =	sadd.s32 s5, s19  }
0x9d: {  	s8 =	simm.s32 $0x0;
	s20 =	sshll.u32 s6, $0x1;
	s6 =	sadd.s32 s21, s4  }
0x9e: {  	[timem:s8], [sflag:s22] =	dma.local [hbm:s6], s20  }
0x9f: {  	_ =	swait.ge [sflag:s22], s20  }
0xa0: {  	s5 =	ssub.s32 $0x0, s20;
	[sflag:s22] =	ssyncset.done $0x0  }
0xa1: {  	[sflag:s22] =	ssyncadd.s32 s5;
	_ =	sdelay $0x1  }
0xa2: {  	s23 =	simm.s32 $0x1B8B  }
0xa3: {  	_ =	swait.ge [sflag:s23], $0x1  }
0xa4: {  	[sflag:s23] =	ssyncset.done $0x0  }
0xa5: {  	s25 =	simm.s32 $0x1B8E;
	s24 =	sld [smem:$0x3FFE];
	[sflag:s23] =	ssyncadd.s32 $0xFFFFFFFF  }
0xa6: {  	s26 =	simm.s32 $execute0_lowered;
	[smem:$0x3FD2] =	sst s25  }
0xa7: {  	s6 =	sshll.u32 s26, $0x1;
	_ =	strace $0x80000046;
	[dreg:$0x1] =	wrdreg $0xFFFFFFFF  }
0xa8: {  	s28 =	simm.s32 $_size_execute0_lowered;
	s4 =	sadd.s32 s4, s6;
	[dreg:$0x0] =	wrdreg $0x0  }
0xa9: {  	s6 =	sshll.u32 s28, $0x1;
	[dreg:$0x2] =	wrdreg s4  }
0xaa: {  	[dreg:$0x3] =	wrdreg s6  }
0xab: {  	[dreg:$0x4] =	wrdreg $0xC0  }
0xac: {  	_ =	task [dreg:s8], $0x5FFFF  }
0xad: {  	[dreg:$0x1] =	wrdreg $0xFFFFFFFF  }
0xae: {  	[dreg:$0x0] =	wrdreg $0x60  }
0xaf: {  	[dreg:$0x2] =	wrdreg s2  }
0xb0: {  	[dreg:$0x3] =	wrdreg s18  }
0xb1: {  	[dreg:$0x4] =	wrdreg s24  }
0xb2: {  	[dreg:$0x5] =	wrdreg $0x9  }
0xb3: {  	_ =	task.clear_ibuf [dreg:s8], $0x6FFFF;
	_ =	strace $0x90000046  }
0xb4: {  	s29 =	simm.s32 $0x9;
	_ =	strace $0x80000048  }
0xb5: {  	_ =	swait.ge [sflag:s29], $0x1  }
0xb6: {  	[sflag:s29] =	ssyncadd.s32 $0xFFFFFFFF  }
0xb7: {  	_ =	strace $0x90000048  }
0xb8: {  	_ =	sfence  }
0xb9: {  	s30 =	sld [smem:$0x0];
	_ =	sdelay $0x2  }
0xba: {  	s31 =	sshll.u32 s1, $0xD;
	s1 =	sshrl.u32 s1, $0x2  }
0xbb: {  	s3 =	sand.u32 $0x4000, s31;
	s1 =	sadd.s32 s1, s30  }
0xbc: {  	s0 =	sor.u32 s3, s0;
	s1 =	sshll.u32 s1, $0x11  }
0xbd: {  	s0 =	sor.u32 s1, s0  }
0xbe: {  	s0 =	sadd.s32 $0x8F2B, s0  }
0xbf: {  	[sflag:s0] =	ssyncadd.remote.s32 $0x1  }
0xc0: {  	_ =	sfence.sel $0xFFFF  }
0xc1: {  	[dreg:$0x0] =	wrdreg $0xFFFFFFFF;
	(pc) =	sbr.abs _section_cstart, $3  }
0xc2: {  	[dreg:$0x1] =	wrdreg $0xFFFFFFFF  }
0xc3: {  	_ =	task.clear_ibuf [dreg:s8], $0x2FFFF;
	_ =	strace $0x9FFFFFFF  }
0xc4: {  	(tm) =	ssettm $0x7FFFFFFF  }
0xc5: {  	_ =	shalt  }
tec
execute0_lowered:
.L_overlay_start_1:
0x0: {  	(tag) =	ssettag $0x1  }
0x1: {  	s1 =	srdreg.scid  }
0x2: {  	s0 =	stileid.u32;
	v0 =	vimm.s32 $0xFEDCBA98;
	v1 =	vimm.s32 $0x76543210;
	s2 =	rddreg [dreg:$0x1];
	v2 =	vimm.s32 $0xBA98FEDC  }
0x3: {  	s8 =	rddreg [dreg:$0x2];
	s3 =	simm.s32 $0x0;
	v3 =	vimm.s32 $0x32107654;
	v4 =	vimm.s32 $0xDCFE98BA;
	v5 =	vimm.s32 $0x54761032;
	s11 =	simm.s32 $0x100  }
0x4: {  	v6 =	vimm.s32 $0xEFCDAB89;
	v7 =	vimm.s32 $0x67452301;
	s12 =	simm.s32 $0x400;
	s5 =	sand.u32 $0x1, s1;
	s28 =	sshll.u32 s0, $0x1  }
0x5: {  	s13 =	simm.s32 $0x4000;
	s14 =	simm.s32 $0xC000;
	v0 =	vunpack.c.l.s4.s8 v0;
	v1 =	vunpack.c.l.s4.s8 v1;
	v2 =	vunpack.c.l.s4.s8 v2;
	s4 =	sor.u32 s5, s28  }
0x6: {  	s15 =	simm.s32 $0x1;
	s16 =	simm.s32 $0x14000;
	v3 =	vunpack.c.l.s4.s8 v3;
	v4 =	vunpack.c.l.s4.s8 v4;
	v5 =	vunpack.c.l.s4.s8 v5;
	s6 =	smul.u32 $0x19, s4  }
0x7: {  	s17 =	simm.s32 $0x2;
	s18 =	simm.s32 $0x0;
	v6 =	vunpack.c.l.s4.s8 v6;
	v7 =	vunpack.c.l.s4.s8 v7;
	s7 =	smul.u32 $0x64000, s4;
	v0 =	vunpack.c.0.s8.s32 v0  }
0x8: {  	s1 =	rddreg [dreg:$0x0];
	s29 =	ssub.s32 $0x2, s5;
	s9 =	smul.u32 $0x320000, s4;
	v2 =	vunpack.c.0.s8.s32 v2;
	v3 =	vunpack.c.0.s8.s32 v3;
	v4 =	vunpack.c.0.s8.s32 v4  }
.Ltmp0:
0x9: {  	[smem:$0x7FF] =	sst s3;
	s10 =	sshrl.u32 s29, $0x1;
	v5 =	vunpack.c.0.s8.s32 v5;
	v6 =	vunpack.c.0.s8.s32 v6;
	v7 =	vunpack.c.0.s8.s32 v7;
	(pc) =	sbr.rel .LBB2_1-.Ltmp0, $4  }
0xa: {  	s4 =	rddreg [dreg:$0x3];
	_ =	strace $0x80000047;
	v1 =	vunpack.c.0.s8.s32 v1;
	s31 =	ssub.s32 s29, s10;
	v2 =	vcombine.low v3, v2  }
0xb: {  	s10 =	simm.s32 $0x3;
	s8 =	sadd.s32 s6, s8;
	s30 =	sshrl.u32 s9, $0x3;
	v3 =	vcombine.low v5, v4;
	v4 =	vcombine.low v7, v6;
	v0 =	vand.u32 $0xF, v0  }
0xc: {  	s5 =	sadd.s32 $0x1380000, s7;
	s9 =	smax.u32 s31, $0x1;
	s7 =	sadd.s32 s1, s30;
	v0 =	vcombine.low v0, v1  }
0xd: {  	s6 =	sadd.s32 s1, s5;
	s8 =	sadd.s32 $0x200, s8;
	s7 =	sadd.s32 $0x1380020, s7;
	v1 =	vand.u32 $0xF, v2;
	v2 =	vand.u32 $0xF, v3;
	v3 =	vand.u32 $0xF, v4  }
.LBB2_8:
0xe: {  	s18 =	sadd.s32 $0x1, s18  }
0xf: {  	p0 =	sne.s32 s18, s9  }
.Ltmp1:
0x10: {  	_ = 	snop;
	(pc) =	sbr.rel @!p0 .LBB2_9-.Ltmp1, $4  }
0x11: {  	[hbm4b:s8+s3] =	stream.linear.scatter [tilespmem:s16], [sflag:$0x3], $0xC8, $0x38;
	[tilespmem:$0x14100] =	vst v63  }
0x12: {  	_ =	swait.ge [sflag:s10], $0xC8  }
0x13: {  	[sflag:s10] =	ssyncset.done $0x0  }
0x14: {  	[sflag:s10] =	ssyncadd.s32 $0xFFFFFF38  }
.LBB2_1:
0x15: {  	[tilespmem:s3], [sflag:$0x3] =	stream.linear.gather [hbm4b:s2+s3], $0x4000, $0x38;
	[tilespmem:$0x14100] =	vst v63  }
0x16: {  	_ =	swait.ge [sflag:s10], $0x4000  }
0x17: {  	[sflag:s10] =	ssyncset.done $0x0  }
0x18: {  	[sflag:s10] =	ssyncadd.s32 $0xFFFFC000  }
0x19: {  	[tilespmem:s13], [sflag:$0x1] =	stream.strided.gather [hbm4b:s6+s11], $0x8000, s12, s11, $0x38;
	[tilespmem:$0x14100] =	vst v63  }
0x1a: {  	s19 =	simm.s32 $0x0  }
0x1b: {  	[tilespmem:s14], [sflag:$0x2] =	stream.strided.gather [hbm4b:s7+s11], $0x8000, s12, s11, $0x38;
	[tilespmem:$0x14100] =	vst v63  }
.LBB2_2:
0x1c: {  	_ =	swait.ge [sflag:s15], $0x8000  }
0x1d: {  	[sflag:s15] =	ssyncset.done $0x0  }
0x1e: {  	s21 =	simm.s32 $0x40;
	[sflag:s15] =	ssyncadd.s32 $0xFFFF8000  }
0x1f: {  	v4 =	vld [tilespmem:s21+$0x30]  }
0x20: {  	v6 =	vld [tilespmem:s21+$0x20]  }
0x21: {  	v5 =	vld [tilespmem:s21+$0x10]  }
0x22: {  	v11 =	vld [tilespmem:s21+$0x0]  }
0x23: {  	v8 =	vld [tilespmem:s21+$0xFFFFFFF0]  }
0x24: {  	v7 =	vld [tilespmem:s21+$0xFFFFFFE0]  }
0x25: {  	v9 =	vld [tilespmem:s21+$0xFFFFFFD0]  }
0x26: {  	s20 =	simm.s32 $0x4080;
	v10 =	vld [tilespmem:s21+$0xFFFFFFC0]  }
0x27: {  	v12 =	vld [tilespmem:s20+$0xFFFFFF80]  }
0x28: {  	v13 =	vld [tilespmem:s20+$0x0]  }
0x29: {  	v14 =	vld [tilespmem:s20+$0xFFFFFF90]  }
0x2a: {  	v15 =	vld [tilespmem:s20+$0x10]  }
0x2b: {  	v16 =	vld [tilespmem:s20+$0xFFFFFFA0]  }
0x2c: {  	v17 =	vld [tilespmem:s20+$0x20]  }
0x2d: {  	v18 =	vld [tilespmem:s20+$0xFFFFFFB0];
	v12 =	vmul.f32 v12, v10;
	v10 =	vmul.f32 v13, v10  }
0x2e: {  	v19 =	vimm.f32 $0.0e+00;
	v13 =	vld [tilespmem:s20+$0x30];
	v14 =	vmul.f32 v14, v9  }
0x2f: {  	v20 =	vld [tilespmem:s20+$0xFFFFFFC0];
	v9 =	vmul.f32 v15, v9;
	v12 =	vadd.f32 v12, v19;
	v10 =	vadd.f32 v10, v19  }
0x30: {  	v15 =	vmul.f32 v16, v7;
	v19 =	vld [tilespmem:s20+$0x40]  }
0x31: {  	v21 =	vld [tilespmem:s20+$0xFFFFFFD0];
	v12 =	vadd.f32 v14, v12;
	v10 =	vadd.f32 v9, v10;
	v14 =	vmul.f32 v17, v7  }
0x32: {  	v16 =	vmul.f32 v18, v8;
	v7 =	vld [tilespmem:s20+$0x50]  }
0x33: {  	v9 =	vld [tilespmem:s20+$0xFFFFFFE0];
	v13 =	vmul.f32 v13, v8;
	v15 =	vadd.f32 v15, v12;
	v17 =	vadd.f32 v14, v10  }
0x34: {  	v8 =	vld [tilespmem:s20+$0x60];
	v12 =	vmul.f32 v20, v11  }
0x35: {  	v10 =	vld [tilespmem:s20+$0xFFFFFFF0];
	v14 =	vadd.f32 v16, v15;
	v15 =	vadd.f32 v13, v17;
	v16 =	vmul.f32 v19, v11  }
0x36: {  	s22 =	simm.s32 $0xC0;
	s21 =	simm.s32 $0x0;
	v13 =	vmul.f32 v21, v5;
	v11 =	vld [tilespmem:s20+$0x70]  }
.LBB2_3:
0x37: {  	v17 =	vld [tilespmem:s22+$0x30];
	v12 =	vadd.f32 v12, v14;
	v14 =	vadd.f32 v16, v15;
	v7 =	vmul.f32 v7, v5  }
0x38: {  	v15 =	vld [tilespmem:s22+$0x20];
	v9 =	vmul.f32 v9, v6  }
0x39: {  	v5 =	vld [tilespmem:s22+$0x10];
	v12 =	vadd.f32 v13, v12;
	v7 =	vadd.f32 v7, v14;
	v6 =	vmul.f32 v8, v6  }
0x3a: {  	v13 =	vld [tilespmem:s22+$0x0];
	v8 =	vmul.f32 v10, v4  }
0x3b: {  	v10 =	vld [tilespmem:s22+$0xFFFFFFF0];
	v9 =	vadd.f32 v9, v12;
	v14 =	vadd.f32 v6, v7;
	v7 =	vmul.f32 v11, v4  }
0x3c: {  	v11 =	vld [tilespmem:s22+$0xFFFFFFE0];
	v4 =	vmov v17  }
0x3d: {  	v12 =	vld [tilespmem:s22+$0xFFFFFFD0];
	v8 =	vadd.f32 v8, v9;
	v7 =	vadd.f32 v7, v14;
	v6 =	vmov v15  }
0x3e: {  	s20 =	sadd.s32 $0x100, s20;
	v9 =	vld [tilespmem:s22+$0xFFFFFFC0]  }
0x3f: {  	v14 =	vld [tilespmem:s20+$0xFFFFFF80]  }
0x40: {  	s21 =	sadd.s32 $0x8, s21;
	v15 =	vld [tilespmem:s20+$0x0]  }
0x41: {  	p0 =	slt.u32 s21, $0x3F8;
	v16 =	vld [tilespmem:s20+$0xFFFFFF90]  }
0x42: {  	v17 =	vld [tilespmem:s20+$0x10]  }
0x43: {  	v18 =	vld [tilespmem:s20+$0xFFFFFFA0]  }
0x44: {  	v19 =	vld [tilespmem:s20+$0x20]  }
0x45: {  	v14 =	vmul.f32 v14, v9;
	v9 =	vmul.f32 v15, v9;
	v15 =	vld [tilespmem:s20+$0xFFFFFFB0]  }
0x46: {  	v16 =	vmul.f32 v16, v12;
	v20 =	vld [tilespmem:s20+$0x30]  }
0x47: {  	v8 =	vadd.f32 v14, v8;
	v7 =	vadd.f32 v9, v7;
	v9 =	vmul.f32 v17, v12;
	v12 =	vld [tilespmem:s20+$0xFFFFFFC0]  }
0x48: {  	v14 =	vmul.f32 v18, v11;
	v17 =	vld [tilespmem:s20+$0x40]  }
0x49: {  	v8 =	vadd.f32 v16, v8;
	v9 =	vadd.f32 v9, v7;
	v11 =	vmul.f32 v19, v11;
	v18 =	vld [tilespmem:s20+$0xFFFFFFD0]  }
.Ltmp2:
0x4a: {  	v15 =	vmul.f32 v15, v10;
	v7 =	vld [tilespmem:s20+$0x50];
	(pc) =	sbr.rel @p0 .LBB2_3-.Ltmp2, $4  }
0x4b: {  	v14 =	vadd.f32 v14, v8;
	v11 =	vadd.f32 v11, v9;
	v10 =	vmul.f32 v20, v10;
	v9 =	vld [tilespmem:s20+$0xFFFFFFE0]  }
0x4c: {  	v12 =	vmul.f32 v12, v13;
	v8 =	vld [tilespmem:s20+$0x60]  }
0x4d: {  	v14 =	vadd.f32 v15, v14;
	v15 =	vadd.f32 v10, v11;
	v16 =	vmul.f32 v17, v13;
	v10 =	vld [tilespmem:s20+$0xFFFFFFF0]  }
0x4e: {  	s22 =	sadd.s32 $0x80, s22;
	v13 =	vmul.f32 v18, v5;
	v11 =	vld [tilespmem:s20+$0x70]  }
0x4f: {  	v12 =	vadd.f32 v12, v14  }
0x50: {  	v14 =	vadd.f32 v16, v15;
	v5 =	vmul.f32 v7, v5  }
0x51: {  	v7 =	vmul.f32 v9, v6;
	v9 =	vadd.f32 v13, v12  }
0x52: {  	v5 =	vadd.f32 v5, v14;
	v6 =	vmul.f32 v8, v6  }
0x53: {  	v8 =	vmul.f32 v10, v4;
	v7 =	vadd.f32 v7, v9  }
0x54: {  	v5 =	vadd.f32 v6, v5;
	v4 =	vmul.f32 v11, v4  }
0x55: {  	v6 =	vadd.f32 v8, v7  }
0x56: {  	v4 =	vadd.f32 v4, v5  }
0x57: {  	v5 =	vperm.xlane v6, v0  }
0x58: {  	v7 =	vperm.xlane v4, v0  }
0x59: {  	v5 =	vadd.f32 v5, v6  }
0x5a: {  	v4 =	vadd.f32 v7, v4  }
0x5b: {  	v6 =	vperm.xlane v5, v1  }
0x5c: {  	v7 =	vperm.xlane v4, v1  }
0x5d: {  	v5 =	vadd.f32 v6, v5  }
0x5e: {  	v4 =	vadd.f32 v7, v4  }
0x5f: {  	s21 =	sshll.u32 s19, $0x2;
	v6 =	vperm.xlane v5, v2  }
0x60: {  	s20 =	sor.u32 $0x1, s21;
	v7 =	vmov s21;
	v8 =	vperm.xlane v4, v2  }
0x61: {  	v5 =	vadd.f32 v6, v5;
	v6 =	vbroadcast v7, $0x0;
	v7 =	vmov s20  }
0x62: {  	v4 =	vadd.f32 v8, v4;
	v7 =	vbroadcast v7, $0x0  }
0x63: {  	p0 =	seq.s32 s19, $0x31;
	s20 =	sshll.u32 s19, $0x1;
	v8 =	vperm.xlane v5, v3  }
0x64: {  	s22 =	sadd.s32 @!p0 $0x2, s20;
	v9 =	vperm.xlane v4, v3  }
0x65: {  	s23 =	sshll.u32 @!p0 s22, $0xC;
	s22 =	sshll.u32 @!p0 s22, $0x5;
	v5 =	vadd.f32 v8, v5  }
0x66: {  	s23 =	sadd.s32 @!p0 s5, s23;
	s22 =	sand.u32 @!p0 $0x40, s22;
	v4 =	vadd.f32 v9, v4  }
0x67: {  	s24 =	simm.s32 @!p0 $0x400;
	s23 =	sand.u32 @!p0 $0xFFFC000, s23;
	s22 =	sadd.s32 @!p0 s1, s22;
	[tilespmem:v6+s16+$0x0] =	vst.idx.msk $0x1, v5  }
0x68: {  	s25 =	simm.s32 @!p0 $0x4000;
	s22 =	sadd.s32 @!p0 s23, s22;
	s23 =	simm.s32 @!p0 $0x100;
	[tilespmem:v7+s16+$0x0] =	vst.idx.msk $0x1, v4  }
0x69: {  	[tilespmem:s25], [sflag:$0x1] =	stream.strided.gather @!p0 [hbm4b:s22+s23], $0x8000, s24, s23, $0x38;
	[tilespmem:$0x14100] =	vst v63  }
0x6a: {  	_ =	swait.ge [sflag:s17], $0x8000  }
0x6b: {  	[sflag:s17] =	ssyncset.done $0x0  }
0x6c: {  	s31 =	simm.s32 $0x40;
	[sflag:s17] =	ssyncadd.s32 $0xFFFF8000  }
0x6d: {  	v4 =	vld [tilespmem:s31+$0x30]  }
0x6e: {  	v6 =	vld [tilespmem:s31+$0x20]  }
0x6f: {  	v5 =	vld [tilespmem:s31+$0x10]  }
0x70: {  	v11 =	vld [tilespmem:s31+$0x0]  }
0x71: {  	v8 =	vld [tilespmem:s31+$0xFFFFFFF0]  }
0x72: {  	v7 =	vld [tilespmem:s31+$0xFFFFFFE0]  }
0x73: {  	v9 =	vld [tilespmem:s31+$0xFFFFFFD0]  }
0x74: {  	s22 =	simm.s32 $0xC080;
	v10 =	vld [tilespmem:s31+$0xFFFFFFC0]  }
0x75: {  	v12 =	vld [tilespmem:s22+$0xFFFFFF80]  }
0x76: {  	v13 =	vld [tilespmem:s22+$0x0]  }
0x77: {  	v14 =	vld [tilespmem:s22+$0xFFFFFF90]  }
0x78: {  	v15 =	vld [tilespmem:s22+$0x10]  }
0x79: {  	v16 =	vld [tilespmem:s22+$0xFFFFFFA0]  }
0x7a: {  	v17 =	vld [tilespmem:s22+$0x20]  }
0x7b: {  	v18 =	vld [tilespmem:s22+$0xFFFFFFB0];
	v12 =	vmul.f32 v12, v10;
	v10 =	vmul.f32 v13, v10  }
0x7c: {  	v19 =	vimm.f32 $0.0e+00;
	v13 =	vld [tilespmem:s22+$0x30];
	v14 =	vmul.f32 v14, v9  }
0x7d: {  	v20 =	vld [tilespmem:s22+$0xFFFFFFC0];
	v9 =	vmul.f32 v15, v9;
	v12 =	vadd.f32 v12, v19;
	v10 =	vadd.f32 v10, v19  }
0x7e: {  	v15 =	vmul.f32 v16, v7;
	v19 =	vld [tilespmem:s22+$0x40]  }
0x7f: {  	v21 =	vld [tilespmem:s22+$0xFFFFFFD0];
	v12 =	vadd.f32 v14, v12;
	v10 =	vadd.f32 v9, v10;
	v14 =	vmul.f32 v17, v7  }
0x80: {  	v16 =	vmul.f32 v18, v8;
	v7 =	vld [tilespmem:s22+$0x50]  }
0x81: {  	v9 =	vld [tilespmem:s22+$0xFFFFFFE0];
	v13 =	vmul.f32 v13, v8;
	v15 =	vadd.f32 v15, v12;
	v17 =	vadd.f32 v14, v10  }
0x82: {  	v8 =	vld [tilespmem:s22+$0x60];
	v12 =	vmul.f32 v20, v11  }
0x83: {  	v10 =	vld [tilespmem:s22+$0xFFFFFFF0];
	v14 =	vadd.f32 v16, v15;
	v15 =	vadd.f32 v13, v17;
	v16 =	vmul.f32 v19, v11  }
0x84: {  	s23 =	simm.s32 $0x0;
	s24 =	simm.s32 $0xC0;
	v13 =	vmul.f32 v21, v5;
	v11 =	vld [tilespmem:s22+$0x70]  }
.LBB2_5:
0x85: {  	v17 =	vld [tilespmem:s24+$0x30];
	v12 =	vadd.f32 v12, v14;
	v14 =	vadd.f32 v16, v15;
	v7 =	vmul.f32 v7, v5  }
0x86: {  	v15 =	vld [tilespmem:s24+$0x20];
	v9 =	vmul.f32 v9, v6  }
0x87: {  	v5 =	vld [tilespmem:s24+$0x10];
	v12 =	vadd.f32 v13, v12;
	v7 =	vadd.f32 v7, v14;
	v6 =	vmul.f32 v8, v6  }
0x88: {  	v13 =	vld [tilespmem:s24+$0x0];
	v8 =	vmul.f32 v10, v4  }
0x89: {  	v10 =	vld [tilespmem:s24+$0xFFFFFFF0];
	v9 =	vadd.f32 v9, v12;
	v14 =	vadd.f32 v6, v7;
	v7 =	vmul.f32 v11, v4  }
0x8a: {  	v11 =	vld [tilespmem:s24+$0xFFFFFFE0];
	v4 =	vmov v17  }
0x8b: {  	v12 =	vld [tilespmem:s24+$0xFFFFFFD0];
	v8 =	vadd.f32 v8, v9;
	v7 =	vadd.f32 v7, v14;
	v6 =	vmov v15  }
0x8c: {  	s22 =	sadd.s32 $0x100, s22;
	v9 =	vld [tilespmem:s24+$0xFFFFFFC0]  }
0x8d: {  	v14 =	vld [tilespmem:s22+$0xFFFFFF80]  }
0x8e: {  	s23 =	sadd.s32 $0x8, s23;
	v15 =	vld [tilespmem:s22+$0x0]  }
0x8f: {  	p1 =	slt.u32 s23, $0x3F8;
	v16 =	vld [tilespmem:s22+$0xFFFFFF90]  }
0x90: {  	v17 =	vld [tilespmem:s22+$0x10]  }
0x91: {  	v18 =	vld [tilespmem:s22+$0xFFFFFFA0]  }
0x92: {  	v19 =	vld [tilespmem:s22+$0x20]  }
0x93: {  	v14 =	vmul.f32 v14, v9;
	v9 =	vmul.f32 v15, v9;
	v15 =	vld [tilespmem:s22+$0xFFFFFFB0]  }
0x94: {  	v16 =	vmul.f32 v16, v12;
	v20 =	vld [tilespmem:s22+$0x30]  }
0x95: {  	v8 =	vadd.f32 v14, v8;
	v7 =	vadd.f32 v9, v7;
	v9 =	vmul.f32 v17, v12;
	v12 =	vld [tilespmem:s22+$0xFFFFFFC0]  }
0x96: {  	v14 =	vmul.f32 v18, v11;
	v17 =	vld [tilespmem:s22+$0x40]  }
0x97: {  	v8 =	vadd.f32 v16, v8;
	v9 =	vadd.f32 v9, v7;
	v11 =	vmul.f32 v19, v11;
	v18 =	vld [tilespmem:s22+$0xFFFFFFD0]  }
.Ltmp3:
0x98: {  	v15 =	vmul.f32 v15, v10;
	v7 =	vld [tilespmem:s22+$0x50];
	(pc) =	sbr.rel @p1 .LBB2_5-.Ltmp3, $4  }
0x99: {  	v14 =	vadd.f32 v14, v8;
	v11 =	vadd.f32 v11, v9;
	v10 =	vmul.f32 v20, v10;
	v9 =	vld [tilespmem:s22+$0xFFFFFFE0]  }
0x9a: {  	v12 =	vmul.f32 v12, v13;
	v8 =	vld [tilespmem:s22+$0x60]  }
0x9b: {  	v14 =	vadd.f32 v15, v14;
	v15 =	vadd.f32 v10, v11;
	v16 =	vmul.f32 v17, v13;
	v10 =	vld [tilespmem:s22+$0xFFFFFFF0]  }
0x9c: {  	s24 =	sadd.s32 $0x80, s24;
	v13 =	vmul.f32 v18, v5;
	v11 =	vld [tilespmem:s22+$0x70]  }
0x9d: {  	v12 =	vadd.f32 v12, v14  }
0x9e: {  	v51 =	vadd.f32 v16, v15;
	v5 =	vmul.f32 v7, v5  }
0x9f: {  	v52 =	vmul.f32 v9, v6;
	v53 =	vadd.f32 v13, v12  }
0xa0: {  	v5 =	vadd.f32 v5, v51;
	v54 =	vmul.f32 v8, v6  }
0xa1: {  	v55 =	vmul.f32 v10, v4;
	v7 =	vadd.f32 v52, v53  }
0xa2: {  	v5 =	vadd.f32 v54, v5;
	v4 =	vmul.f32 v11, v4  }
0xa3: {  	v56 =	vadd.f32 v55, v7  }
0xa4: {  	v4 =	vadd.f32 v4, v5  }
0xa5: {  	v5 =	vperm.xlane v56, v0  }
0xa6: {  	v57 =	vperm.xlane v4, v0  }
0xa7: {  	v5 =	vadd.f32 v5, v56  }
0xa8: {  	v4 =	vadd.f32 v57, v4  }
0xa9: {  	v6 =	vperm.xlane v5, v1  }
0xaa: {  	v7 =	vperm.xlane v4, v1  }
0xab: {  	v5 =	vadd.f32 v6, v5  }
0xac: {  	s22 =	sor.u32 $0x2, s21;
	v4 =	vadd.f32 v7, v4  }
0xad: {  	v58 =	vmov s22;
	v6 =	vperm.xlane v5, v2  }
0xae: {  	v7 =	vand.u32 $0xFFFFFFFE, v58;
	v59 =	vperm.xlane v4, v2  }
0xaf: {  	v60 =	vbroadcast v7, $0x0;
	v5 =	vadd.f32 v6, v5  }
0xb0: {  	s31 =	sor.u32 $0x3, s21;
	v4 =	vadd.f32 v59, v4  }
0xb1: {  	v62 =	vmov s31;
	v61 =	vperm.xlane v5, v3  }
.Ltmp4:
0xb2: {  	v63 =	vperm.xlane v4, v3;
	(pc) =	sbr.rel @p0 .LBB2_8-.Ltmp4, $4  }
0xb3: {  	v5 =	vadd.f32 v61, v5  }
0xb4: {  	v4 =	vadd.f32 v63, v4  }
0xb5: {  	[tilespmem:v60+s16+$0x0] =	vst.idx.msk $0x1, v5  }
0xb6: {  	[tilespmem:v62+s16+$0x0] =	vst.idx.msk $0x1, v4  }
0xb7: {  	s20 =	sadd.s32 $0x3, s20  }
.Ltmp5:
0xb8: {  	s21 =	sshll.u32 s20, $0xC;
	s20 =	sshll.u32 s20, $0x5;
	(pc) =	sbr.rel .LBB2_2-.Ltmp5, $4  }
0xb9: {  	s21 =	sadd.s32 s5, s21;
	s20 =	sand.u32 $0x60, s20  }
0xba: {  	s21 =	sand.u32 $0xFFFC000, s21;
	s20 =	sadd.s32 s1, s20  }
0xbb: {  	s19 =	sadd.s32 $0x1, s19;
	s20 =	sadd.s32 s21, s20  }
0xbc: {  	[tilespmem:s14], [sflag:$0x2] =	stream.strided.gather [hbm4b:s20+s11], $0x8000, s12, s11, $0x38;
	[tilespmem:$0x14100] =	vst v63  }
.LBB2_9:
0xbd: {  	_ =	sfence.sel $0x180000  }
0xbe: {  	[bflag:$0x0] =	sbarrier.arrive $0xFFFF  }
0xbf: {  	p0 =	sne.s32 s0, $0x0;
	_ =	strace $0x90000047  }
0xc0: {  	s0 =	sadd.s32 @!p0 $0x100000, s4;
	[bflag:$0x2] =	sbarrier.arrive $0xFFFF  }
0xc1: {  	[sflag:s0] =	ssyncadd.tile.s32 @!p0 $0x1;
	_ =	shalt  }
.Lfunc_end2:
_tile_overlayer_lowered:
.L_overlay_start_2:
0xc2: {  	(tag) =	ssettag $0x2  }
0xc3: {  	s0 =	rddreg [dreg:$0x0];
	s2 =	stileid.u32  }
0xc4: {  	s1 =	rddreg [dreg:$0x1];
	p0 =	sne.s32 s2, $0x0  }
0xc5: {  	s3 =	rddreg [dreg:$0x2];
	[bflag:$0x3] =	sbarrier.arrive $0xFFFF;
	s2 =	simm.s32 @!p0 $0x1C03  }
0xc6: {  	[timem:s3], [sflag:s2] =	dma.local @!p0 [hbm:s0], s1  }
0xc7: {  	s0 =	simm.s32 @!p0 $0x3  }
0xc8: {  	_ =	swait.ge @!p0 [sflag:s0], s1  }
0xc9: {  	s1 =	ssub.s32 @!p0 $0x0, s1;
	[sflag:s0] =	ssyncset.done @!p0 $0x0  }
0xca: {  	[sflag:s0] =	ssyncadd.s32 @!p0 s1  }
0xcb: {  	[bflag:$0x3] =	sbarrier.arrive $0xFFFF  }
0xcc: {  	_ =	shalt  }

</sc_bundles>
